<compile_context>
chip_gen: v7x
topology: tpu7x:2x2x1
jax: 0.10.2.dev20260603
libtpu: 0.0.44.dev20260713+nightly
codegen_flags: <defaults>
</compile_context>

<pallas_src>
import jax
import jax.numpy as jnp
from jax import lax
from jax.experimental import pallas as pl
from jax.experimental.pallas import tpu as pltpu
from jax.experimental.pallas import tpu_sc as plsc

_DIM = 100
_NS = 144
_B = 32
_V = 16
_F32 = jnp.float32


def _sc_body(coords_hbm, mask_hbm, out_hbm, maskv, pv, outv, sem):
    b = lax.axis_index("s") * 2 + lax.axis_index("c")

    mask_cp = pltpu.async_copy(mask_hbm.at[b], maskv, sem)
    pltpu.sync_copy(coords_hbm.at[b], pv)

    def shoelace(ref, k):
        x = ref[pl.ds(k * 64 + 0, _V)]
        y = ref[pl.ds(k * 64 + 16, _V)]
        xn = ref[pl.ds(k * 64 + 32, _V)]
        yn = ref[pl.ds(k * 64 + 48, _V)]
        ymax = jnp.max(y)
        s = jnp.sum((xn - x) * (ymax - (yn + y) * 0.5))
        return jnp.abs(s), x, y, xn, yn

    pred_area, px, py, pxn, pyn = shoelace(pv, 0)
    gt_area, _, _, _, _ = shoelace(pv, 1)

    xmin = jnp.minimum(px, pxn) - 0.001
    xmax = jnp.maximum(px, pxn) + 0.001
    ymin = jnp.minimum(py, pyn) - 0.001
    ymax_e = jnp.maximum(py, pyn) + 0.001
    sign = jnp.where(pxn > px, 1.0, -1.0).astype(_F32)

    def unit_vec(sx, sy, ex, ey):
        vxr = ex - sx + 1e-6
        vyr = ey - sy + 1e-6
        nsq = vxr * vxr + vyr * vyr
        yi = 0x5F3759DF - (plsc.bitcast(nsq, jnp.int32) >> 1)
        ry = plsc.bitcast(yi, _F32)
        for _ in range(3):
            ry = ry * (1.5 - 0.5 * nsq * ry * ry)
        return vxr * ry, vyr * ry, nsq * ry

    fvx, fvy, fnorm = unit_vec(px, py, pxn, pyn)
    bvx, bvy, bnorm = unit_vec(pxn, pyn, px, py)

    def sample(dsf, sx, sy, vx, vy, flp):
        xs = sx + dsf * vx
        ys = sy + dsf * vy
        keep = ((xs <= xmax) & (xs >= xmin)
                & (ys <= ymax_e) & (ys >= ymin))
        fl = xs.astype(jnp.int32)
        uniq = keep & (fl != flp)
        y0i = ys.astype(jnp.int32)
        fx = xs - fl.astype(_F32)
        fy = ys - y0i.astype(_F32)
        y1i = y0i + 1
        k0 = (y0i >> 2) * _DIM + fl
        k1 = (y1i >> 2) * _DIM + fl
        sh0 = (y0i & 3) << 3
        sh1 = (y1i & 3) << 3

        def tap(k, sh):
            w = plsc.load_gather(maskv, [k], mask=uniq)
            return ((w >> sh) & 1).astype(_F32)

        m00 = tap(k0, sh0)
        m01 = tap(k1, sh1)
        m10 = tap(k0 + 1, sh0)
        m11 = tap(k1 + 1, sh1)
        a = m00 + fy * (m01 - m00)
        bb = m10 + fy * (m11 - m10)
        v = a + fx * (bb - a)
        return jnp.where(uniq, v, 0.0), fl

    def step(j, carry):
        acc_f, acc_b, flp_f, flp_b = carry
        dsf = (j * 2).astype(_F32)
        vf0, fl_f0 = sample(dsf, px, py, fvx, fvy, flp_f)
        vb0, fl_b0 = sample(dsf, pxn, pyn, bvx, bvy, flp_b)
        vf1, fl_f1 = sample(dsf + 1.0, px, py, fvx, fvy, fl_f0)
        vb1, fl_b1 = sample(dsf + 1.0, pxn, pyn, bvx, bvy, fl_b0)
        return acc_f + (vf0 + vf1), acc_b + (vb0 + vb1), fl_f1, fl_b1

    trip = jnp.minimum(
        jnp.max(jnp.maximum(fnorm, bnorm).astype(jnp.int32)) + 3, _NS)
    zerov = jnp.zeros_like(px)
    sentinel = jnp.zeros((_V,), jnp.int32) - (1 << 20)
    mask_cp.wait()
    acc_f, acc_b, _, _ = lax.fori_loop(
        0, (trip + 1) >> 1, step, (zerov, zerov, sentinel, sentinel))
    int_area = jnp.abs(jnp.sum(sign * (acc_f + acc_b) * 0.5))
    union = pred_area + gt_area - int_area
    zeros = jnp.zeros((_V,), _F32)
    outv[...] = (zeros + int_area) / (zeros + union)
    pltpu.sync_copy(outv, out_hbm.at[b])


@jax.jit
def kernel(poly, gt, gt_mask):
    def rows(p):
        x = p[:, :, 0]
        y = p[:, :, 1]
        return [x, y, jnp.roll(x, -1, axis=1), jnp.roll(y, -1, axis=1)]

    coords = jnp.concatenate(rows(poly) + rows(gt), axis=1)
    mi = gt_mask.astype(jnp.int32).reshape(_B, _DIM, _DIM)
    w = (mi[:, 0::4] | (mi[:, 1::4] << 8)
         | (mi[:, 2::4] << 16) | (mi[:, 3::4] << 24))
    maskf = jnp.pad(w.reshape(_B, (_DIM * _DIM) // 4), ((0, 0), (0, 60)))
    mesh = plsc.VectorSubcoreMesh(core_axis_name="c", subcore_axis_name="s")
    out = pl.kernel(
        _sc_body,
        mesh=mesh,
        compiler_params=pltpu.CompilerParams(
            needs_layout_passes=False, use_tc_tiling_on_sc=False),
        out_type=jax.ShapeDtypeStruct((_B, _V), _F32),
        scratch_types=[
            pltpu.VMEM((2560,), jnp.int32),
            pltpu.VMEM((8 * _V,), _F32),
            pltpu.VMEM((_V,), _F32),
            pltpu.SemaphoreType.DMA,
        ],
    )(coords, maskf)
    return out[:, 0]

# --- scband reference (transcript-rebuilt; emitter-appended) ---
"""Pipeline reference for scband-diff-io-u-46918222741743 (READ-ONLY COPY).

The authoritative reference and input builder live on the scoring server;
editing this copy changes nothing except your own understanding.
"""

import jax, jax.numpy as jnp
import numpy as np

DIM = 100
MAX_SAMPLES = int(DIM / 0.5) + 1
DIRECTIONS = ('x',)


def polygon_area(poly):
    y_max = jnp.max(poly[:, :, 1], axis=-1)
    x = poly[:, :, 0]
    y = poly[:, :, 1]
    xn = jnp.roll(x, -1, axis=1)
    yn = jnp.roll(y, -1, axis=1)
    s = jnp.sum((xn - x) * (y_max[:, None] - (yn + y) / 2.0), axis=1)
    return jnp.abs(s)


def _samples_scalar(x0, x1, y0, y1, direction):
    # Fixed-size equivalent of get_samples: instead of masked_select (dynamic
    # shape), return all MAX_SAMPLES points plus a 0/1 keep-weight that also
    # encodes the consecutive-floor uniqueness filter (get_uniques).
    v_y = y1 - y0 + 1e-06
    v_x = x1 - x0 + 1e-06
    norm = (v_y ** 2 + v_x ** 2) ** 0.5
    vx = v_x / norm
    vy = v_y / norm
    ds = jnp.arange(MAX_SAMPLES, dtype=jnp.float32)
    x_s = x0 + ds * vx
    y_s = y0 + ds * vy
    x_mask = (x_s <= jnp.maximum(x0, x1) + 0.001) & (x_s >= jnp.minimum(x0, x1) - 0.001)
    y_mask = (y_s <= jnp.maximum(y0, y1) + 0.001) & (y_s >= jnp.minimum(y0, y1) - 0.001)
    mask = x_mask & y_mask
    if direction == 'x':
        bound = (x_s <= DIM - 1) & (x_s >= 0.0)
        uv = x_s
    else:
        bound = (y_s <= DIM - 1) & (y_s >= 0.0)
        uv = y_s
    keep = mask & bound
    fl = jnp.floor(uv).astype(jnp.int32)
    idx = jnp.arange(MAX_SAMPLES, dtype=jnp.int32)
    kept_idx = jnp.where(keep, idx, jnp.int32(-1))
    run_max = jax.lax.cummax(kept_idx, axis=0)
    prev = jnp.concatenate([jnp.array([-1], dtype=jnp.int32), run_max[:-1]])
    prev_fl = fl[jnp.clip(prev, 0, MAX_SAMPLES - 1)]
    uniq = keep & ((prev < 0) | (fl != prev_fl))
    return x_s, y_s, uniq.astype(jnp.float32)


def _interp_sum(mask2d, x_s, y_s, w_keep):
    X0 = jnp.floor(x_s)
    X1 = X0 + 1.0
    Y0 = jnp.floor(y_s)
    Y1 = Y0 + 1.0
    w00 = (X1 - x_s) * (Y1 - y_s)
    w01 = (X1 - x_s) * (y_s - Y0)
    w10 = (x_s - X0) * (Y1 - y_s)
    w11 = (x_s - X0) * (y_s - Y0)
    X0i = jnp.clip(X0, 0, DIM - 1).astype(jnp.int32)
    X1i = jnp.clip(X1, 0, DIM - 1).astype(jnp.int32)
    Y0i = jnp.clip(Y0, 0, DIM - 1).astype(jnp.int32)
    Y1i = jnp.clip(Y1, 0, DIM - 1).astype(jnp.int32)
    M00 = mask2d[Y0i, X0i]
    M01 = mask2d[Y1i, X0i]
    M10 = mask2d[Y0i, X1i]
    M11 = mask2d[Y1i, X1i]
    v = w00 * M00 + w01 * M01 + w10 * M10 + w11 * M11
    return jnp.sum(v * w_keep)


def _line_sum_one(mask2d, x0, x1, y0, y1, direction):
    x_s, y_s, w = _samples_scalar(x0, x1, y0, y1, direction)
    return _interp_sum(mask2d, x_s, y_s, w)


def line_sum_mask(maskB, x0, x1, y0, y1, direction):
    f = lambda m, a, b, c, d: _line_sum_one(m, a, b, c, d, direction)
    return jax.vmap(f)(maskB, x0, x1, y0, y1)


def polygon_area_mask(poly, mask, directions):
    num_v = poly.shape[1]
    ret = None
    for m in range(mask.shape[1]):
        s = None
        for i in range(num_v):
            ni = (i + 1) % num_v
            x0 = poly[:, i, 0]
            x1 = poly[:, ni, 0]
            y0 = poly[:, i, 1]
            y1 = poly[:, ni, 1]
            if directions[m] == 'x':
                sign = 2.0 * ((x1 > x0).astype(jnp.float32) - 0.5)
            else:
                sign = 2.0 * ((y1 > y0).astype(jnp.float32) - 0.5)
            sum_f = line_sum_mask(mask[:, m], x0, x1, y0, y1, directions[m])
            sum_b = line_sum_mask(mask[:, m], x1, x0, y1, y0, directions[m])
            term = sign * ((sum_f + sum_b) / 2.0)
            s = term if s is None else s + term
        a = jnp.abs(s)
        ret = a if ret is None else ret + a
    return ret / mask.shape[1]


def get_iou(poly, gt, gt_mask):
    pred_area = polygon_area(poly)
    gt_area = polygon_area(gt)
    int_area = polygon_area_mask(poly, gt_mask, DIRECTIONS)
    union = pred_area + gt_area - int_area
    return int_area / union


def setup_inputs(seed: int = 0):
    key = jax.random.key(seed)
    k1, k2, k3 = jax.random.split(key, 3)
    bs, num_v, num_mask = 32, 16, 1
    poly = jax.random.uniform(k1, (bs, num_v, 2), dtype=jnp.float32, minval=2.0, maxval=DIM - 3.0)
    gt = jax.random.uniform(k2, (bs, num_v, 2), dtype=jnp.float32, minval=2.0, maxval=DIM - 3.0)
    gt_mask = (jax.random.uniform(k3, (bs, num_mask, DIM, DIM), dtype=jnp.float32) > 0.5).astype(jnp.float32)
    return {"poly": poly, "gt": gt, "gt_mask": gt_mask}


def reference(poly, gt, gt_mask):
    return get_iou(poly, gt, gt_mask)

if __name__ == "__main__":
    import jax
    _d = setup_inputs()
    print(jax.jit(kernel)(*tuple(_d.values())))

</pallas_src>

<mosaic_0001>
#map = affine_map<(d0, d1) -> (0, 0)>
module attributes {stable_mosaic.version = 14 : i64} {
  func.func @_sc_body(%arg0: i32, %arg1: i32, %arg2: memref<32x128xf32, #tpu.memory_space<hbm>>, %arg3: memref<32x2560xi32, #tpu.memory_space<hbm>>, %arg4: memref<32x16xf32, #tpu.memory_space<hbm>>, %arg5: memref<2560xi32, #tpu.memory_space<vmem>>, %arg6: memref<128xf32, #tpu.memory_space<vmem>>, %arg7: memref<16xf32, #tpu.memory_space<vmem>>, %arg8: memref<!tpu.dma_semaphore, #tpu.memory_space<semaphore_mem>>) attributes {dimension_semantics = [#tpu.dimension_semantics<core_parallel>, #tpu.dimension_semantics<subcore_parallel>], iteration_bounds = array<i64: 2, 16>, scalar_prefetch = 0 : i64, scratch_operands = 4 : i64, tpu.core_type = #tpu.core_type<sc_vector_subcore>, window_params = [{transform_indices = #map}, {transform_indices = #map}, {transform_indices = #map}]} {
    %mul3A = arith.constant 2 : i32
    %mul3A_0 = arith.muli %arg1, %mul3A : i32
    %add3A = arith.addi %mul3A_0, %arg0 : i32
    %dma_start3A = arith.constant 0 : i32
    %dma_start3A_1 = tpu.memref_slice %arg3[%add3A, %dma_start3A] : memref<32x2560xi32, #tpu.memory_space<hbm>> -> memref<1x2560xi32, #tpu.memory_space<hbm>>
    %dma_start3A_2 = tpu.memref_squeeze %dma_start3A_1 : memref<1x2560xi32, #tpu.memory_space<hbm>> -> memref<2560xi32, #tpu.memory_space<hbm>>
    %dma_start3A_3 = arith.constant 0 : i32
    %dma_start3A_4 = tpu.memref_slice %arg3[%add3A, %dma_start3A_3] : memref<32x2560xi32, #tpu.memory_space<hbm>> -> memref<1x2560xi32, #tpu.memory_space<hbm>>
    %dma_start3A_5 = tpu.memref_squeeze %dma_start3A_4 : memref<1x2560xi32, #tpu.memory_space<hbm>> -> memref<2560xi32, #tpu.memory_space<hbm>>
    tpu.enqueue_dma source(%dma_start3A_5 : memref<2560xi32, #tpu.memory_space<hbm>>) target(%arg5 : memref<2560xi32, #tpu.memory_space<vmem>>) target_semaphore(%arg8 : memref<!tpu.dma_semaphore, #tpu.memory_space<semaphore_mem>>)
    "tpu.region"() ({
      %run_scoped3A = tpu.sem_alloc : memref<!tpu.dma_semaphore, #tpu.memory_space<semaphore_mem>>
      %dma_start3A_221 = arith.constant 0 : i32
      %dma_start3A_222 = tpu.memref_slice %arg2[%add3A, %dma_start3A_221] : memref<32x128xf32, #tpu.memory_space<hbm>> -> memref<1x128xf32, #tpu.memory_space<hbm>>
      %dma_start3A_223 = tpu.memref_squeeze %dma_start3A_222 : memref<1x128xf32, #tpu.memory_space<hbm>> -> memref<128xf32, #tpu.memory_space<hbm>>
      %dma_start3A_224 = arith.constant 0 : i32
      %dma_start3A_225 = tpu.memref_slice %arg2[%add3A, %dma_start3A_224] : memref<32x128xf32, #tpu.memory_space<hbm>> -> memref<1x128xf32, #tpu.memory_space<hbm>>
      %dma_start3A_226 = tpu.memref_squeeze %dma_start3A_225 : memref<1x128xf32, #tpu.memory_space<hbm>> -> memref<128xf32, #tpu.memory_space<hbm>>
      tpu.enqueue_dma source(%dma_start3A_226 : memref<128xf32, #tpu.memory_space<hbm>>) target(%arg6 : memref<128xf32, #tpu.memory_space<vmem>>) target_semaphore(%run_scoped3A : memref<!tpu.dma_semaphore, #tpu.memory_space<semaphore_mem>>)
      %dma_wait3A_227 = arith.constant 0 : i32
      %dma_wait3A_228 = tpu.memref_slice %arg2[%add3A, %dma_wait3A_227] : memref<32x128xf32, #tpu.memory_space<hbm>> -> memref<1x128xf32, #tpu.memory_space<hbm>>
      %dma_wait3A_229 = tpu.memref_squeeze %dma_wait3A_228 : memref<1x128xf32, #tpu.memory_space<hbm>> -> memref<128xf32, #tpu.memory_space<hbm>>
      %dma_wait3A_230 = arith.constant 0 : i32
      %dma_wait3A_231 = tpu.memref_slice %arg2[%add3A, %dma_wait3A_230] : memref<32x128xf32, #tpu.memory_space<hbm>> -> memref<1x128xf32, #tpu.memory_space<hbm>>
      %dma_wait3A_232 = tpu.memref_squeeze %dma_wait3A_231 : memref<1x128xf32, #tpu.memory_space<hbm>> -> memref<128xf32, #tpu.memory_space<hbm>>
      tpu.wait_dma2 semaphore(%run_scoped3A : memref<!tpu.dma_semaphore, #tpu.memory_space<semaphore_mem>>) src(%dma_wait3A_232 : memref<128xf32, #tpu.memory_space<hbm>>) dst(%arg6 : memref<128xf32, #tpu.memory_space<vmem>>)
      tpu.yield
    }) : () -> ()
    %get3A = arith.constant 0 : index
    %get3A_6 = tpu.vector_load %arg6[%get3A] {strides = array<i32>} : memref<128xf32, #tpu.memory_space<vmem>>, vector<16xf32>,
    %get3A_7 = arith.constant 16 : index
    %get3A_8 = tpu.vector_load %arg6[%get3A_7] {strides = array<i32>} : memref<128xf32, #tpu.memory_space<vmem>>, vector<16xf32>,
    %get3A_9 = arith.constant 32 : index
    %get3A_10 = tpu.vector_load %arg6[%get3A_9] {strides = array<i32>} : memref<128xf32, #tpu.memory_space<vmem>>, vector<16xf32>,
    %get3A_11 = arith.constant 48 : index
    %get3A_12 = tpu.vector_load %arg6[%get3A_11] {strides = array<i32>} : memref<128xf32, #tpu.memory_space<vmem>>, vector<16xf32>,
    %reduce_max3A = arith.constant true
    %reduce_max3A_13 = vector.broadcast %reduce_max3A : i1 to vector<16xi1>
    %reduce_max3A_14 = tpu.scan <max>, %get3A_8 masked %reduce_max3A_13 : vector<16xf32>, vector<16xi1> -> vector<16xf32>
    %reduce_max3A_15 = vector.extract %reduce_max3A_14[15] : f32 from vector<16xf32>
    %sub3A = arith.subf %get3A_10, %get3A_6 : vector<16xf32>
    %add3A_16 = arith.addf %get3A_12, %get3A_8 : vector<16xf32>
    %mul3A_17 = arith.constant 5.000000e-01 : f32
    %mul3A_18 = vector.broadcast %mul3A_17 : f32 to vector<16xf32>
    %mul3A_19 = arith.mulf %add3A_16, %mul3A_18 : vector<16xf32>
    %sub3A_20 = vector.broadcast %reduce_max3A_15 : f32 to vector<16xf32>
    %sub3A_21 = arith.subf %sub3A_20, %mul3A_19 : vector<16xf32>
    %mul3A_22 = arith.mulf %sub3A, %sub3A_21 : vector<16xf32>
    %reduce_sum3A = arith.constant true
    %reduce_sum3A_23 = vector.broadcast %reduce_sum3A : i1 to vector<16xi1>
    %reduce_sum3A_24 = tpu.scan <sum>, %mul3A_22 masked %reduce_sum3A_23 : vector<16xf32>, vector<16xi1> -> vector<16xf32>
    %reduce_sum3A_25 = vector.extract %reduce_sum3A_24[15] : f32 from vector<16xf32>
    %abs3A = math.absf %reduce_sum3A_25 : f32
    %get3A_26 = arith.constant 64 : index
    %get3A_27 = tpu.vector_load %arg6[%get3A_26] {strides = array<i32>} : memref<128xf32, #tpu.memory_space<vmem>>, vector<16xf32>,
    %get3A_28 = arith.constant 80 : index
    %get3A_29 = tpu.vector_load %arg6[%get3A_28] {strides = array<i32>} : memref<128xf32, #tpu.memory_space<vmem>>, vector<16xf32>,
    %get3A_30 = arith.constant 96 : index
    %get3A_31 = tpu.vector_load %arg6[%get3A_30] {strides = array<i32>} : memref<128xf32, #tpu.memory_space<vmem>>, vector<16xf32>,
    %get3A_32 = arith.constant 112 : index
    %get3A_33 = tpu.vector_load %arg6[%get3A_32] {strides = array<i32>} : memref<128xf32, #tpu.memory_space<vmem>>, vector<16xf32>,
    %reduce_max3A_34 = arith.constant true
    %reduce_max3A_35 = vector.broadcast %reduce_max3A_34 : i1 to vector<16xi1>
    %reduce_max3A_36 = tpu.scan <max>, %get3A_29 masked %reduce_max3A_35 : vector<16xf32>, vector<16xi1> -> vector<16xf32>
    %reduce_max3A_37 = vector.extract %reduce_max3A_36[15] : f32 from vector<16xf32>
    %sub3A_38 = arith.subf %get3A_31, %get3A_27 : vector<16xf32>
    %add3A_39 = arith.addf %get3A_33, %get3A_29 : vector<16xf32>
    %mul3A_40 = arith.constant 5.000000e-01 : f32
    %mul3A_41 = vector.broadcast %mul3A_40 : f32 to vector<16xf32>
    %mul3A_42 = arith.mulf %add3A_39, %mul3A_41 : vector<16xf32>
    %sub3A_43 = vector.broadcast %reduce_max3A_37 : f32 to vector<16xf32>
    %sub3A_44 = arith.subf %sub3A_43, %mul3A_42 : vector<16xf32>
    %mul3A_45 = arith.mulf %sub3A_38, %sub3A_44 : vector<16xf32>
    %reduce_sum3A_46 = arith.constant true
    %reduce_sum3A_47 = vector.broadcast %reduce_sum3A_46 : i1 to vector<16xi1>
    %reduce_sum3A_48 = tpu.scan <sum>, %mul3A_45 masked %reduce_sum3A_47 : vector<16xf32>, vector<16xi1> -> vector<16xf32>
    %reduce_sum3A_49 = vector.extract %reduce_sum3A_48[15] : f32 from vector<16xf32>
    %abs3A_50 = math.absf %reduce_sum3A_49 : f32
    %min3A = arith.minimumf %get3A_6, %get3A_10 : vector<16xf32>
    %sub3A_51 = arith.constant 1.000000e-03 : f32
    %sub3A_52 = vector.broadcast %sub3A_51 : f32 to vector<16xf32>
    %sub3A_53 = arith.subf %min3A, %sub3A_52 : vector<16xf32>
    %max3A = arith.maximumf %get3A_6, %get3A_10 : vector<16xf32>
    %add3A_54 = arith.constant 1.000000e-03 : f32
    %add3A_55 = vector.broadcast %add3A_54 : f32 to vector<16xf32>
    %add3A_56 = arith.addf %max3A, %add3A_55 : vector<16xf32>
    %min3A_57 = arith.minimumf %get3A_8, %get3A_12 : vector<16xf32>
    %sub3A_58 = arith.constant 1.000000e-03 : f32
    %sub3A_59 = vector.broadcast %sub3A_58 : f32 to vector<16xf32>
    %sub3A_60 = arith.subf %min3A_57, %sub3A_59 : vector<16xf32>
    %max3A_61 = arith.maximumf %get3A_8, %get3A_12 : vector<16xf32>
    %add3A_62 = arith.constant 1.000000e-03 : f32
    %add3A_63 = vector.broadcast %add3A_62 : f32 to vector<16xf32>
    %add3A_64 = arith.addf %max3A_61, %add3A_63 : vector<16xf32>
    %gt3A = arith.cmpf ogt, %get3A_10, %get3A_6 : vector<16xf32>
    %jit3A = arith.constant 1.000000e+00 : f32
    %jit3A_65 = arith.constant -1.000000e+00 : f32
    %broadcast_in_dim3A = vector.broadcast %jit3A : f32 to vector<16xf32>
    %broadcast_in_dim3A_66 = vector.broadcast %jit3A_65 : f32 to vector<16xf32>
    %select_n3A = arith.select %gt3A, %broadcast_in_dim3A, %broadcast_in_dim3A_66 : vector<16xi1>, vector<16xf32>
    %sub3A_67 = arith.subf %get3A_10, %get3A_6 : vector<16xf32>
    %add3A_68 = arith.constant 9.99999997E-7 : f32
    %add3A_69 = vector.broadcast %add3A_68 : f32 to vector<16xf32>
    %add3A_70 = arith.addf %sub3A_67, %add3A_69 : vector<16xf32>
    %sub3A_71 = arith.subf %get3A_12, %get3A_8 : vector<16xf32>
    %add3A_72 = arith.constant 9.99999997E-7 : f32
    %add3A_73 = vector.broadcast %add3A_72 : f32 to vector<16xf32>
    %add3A_74 = arith.addf %sub3A_71, %add3A_73 : vector<16xf32>
    %mul3A_75 = arith.mulf %add3A_70, %add3A_70 : vector<16xf32>
    %mul3A_76 = arith.mulf %add3A_74, %add3A_74 : vector<16xf32>
    %add3A_77 = arith.addf %mul3A_75, %mul3A_76 : vector<16xf32>
    %bitcast3A = vector.bitcast %add3A_77 : vector<16xf32> to vector<16xi32>
    %shift_right_arithmetic3A = arith.constant 1 : i32
    %shift_right_arithmetic3A_78 = vector.broadcast %shift_right_arithmetic3A : i32 to vector<16xi32>
    %shift_right_arithmetic3A_79 = arith.shrsi %bitcast3A, %shift_right_arithmetic3A_78 : vector<16xi32>
    %sub3A_80 = arith.constant 1597463007 : i32
    %sub3A_81 = vector.broadcast %sub3A_80 : i32 to vector<16xi32>
    %sub3A_82 = arith.subi %sub3A_81, %shift_right_arithmetic3A_79 : vector<16xi32>
    %bitcast3A_83 = vector.bitcast %sub3A_82 : vector<16xi32> to vector<16xf32>
    %mul3A_84 = arith.constant 5.000000e-01 : f32
    %mul3A_85 = vector.broadcast %mul3A_84 : f32 to vector<16xf32>
    %mul3A_86 = arith.mulf %mul3A_85, %add3A_77 : vector<16xf32>
    %mul3A_87 = arith.mulf %mul3A_86, %bitcast3A_83 : vector<16xf32>
    %mul3A_88 = arith.mulf %mul3A_87, %bitcast3A_83 : vector<16xf32>
    %sub3A_89 = arith.constant 1.500000e+00 : f32
    %sub3A_90 = vector.broadcast %sub3A_89 : f32 to vector<16xf32>
    %sub3A_91 = arith.subf %sub3A_90, %mul3A_88 : vector<16xf32>
    %mul3A_92 = arith.mulf %bitcast3A_83, %sub3A_91 : vector<16xf32>
    %mul3A_93 = arith.constant 5.000000e-01 : f32
    %mul3A_94 = vector.broadcast %mul3A_93 : f32 to vector<16xf32>
    %mul3A_95 = arith.mulf %mul3A_94, %add3A_77 : vector<16xf32>
    %mul3A_96 = arith.mulf %mul3A_95, %mul3A_92 : vector<16xf32>
    %mul3A_97 = arith.mulf %mul3A_96, %mul3A_92 : vector<16xf32>
    %sub3A_98 = arith.constant 1.500000e+00 : f32
    %sub3A_99 = vector.broadcast %sub3A_98 : f32 to vector<16xf32>
    %sub3A_100 = arith.subf %sub3A_99, %mul3A_97 : vector<16xf32>
    %mul3A_101 = arith.mulf %mul3A_92, %sub3A_100 : vector<16xf32>
    %mul3A_102 = arith.constant 5.000000e-01 : f32
    %mul3A_103 = vector.broadcast %mul3A_102 : f32 to vector<16xf32>
    %mul3A_104 = arith.mulf %mul3A_103, %add3A_77 : vector<16xf32>
    %mul3A_105 = arith.mulf %mul3A_104, %mul3A_101 : vector<16xf32>
    %mul3A_106 = arith.mulf %mul3A_105, %mul3A_101 : vector<16xf32>
    %sub3A_107 = arith.constant 1.500000e+00 : f32
    %sub3A_108 = vector.broadcast %sub3A_107 : f32 to vector<16xf32>
    %sub3A_109 = arith.subf %sub3A_108, %mul3A_106 : vector<16xf32>
    %mul3A_110 = arith.mulf %mul3A_101, %sub3A_109 : vector<16xf32>
    %mul3A_111 = arith.mulf %add3A_70, %mul3A_110 : vector<16xf32>
    %mul3A_112 = arith.mulf %add3A_74, %mul3A_110 : vector<16xf32>
    %mul3A_113 = arith.mulf %add3A_77, %mul3A_110 : vector<16xf32>
    %sub3A_114 = arith.subf %get3A_6, %get3A_10 : vector<16xf32>
    %add3A_115 = arith.constant 9.99999997E-7 : f32
    %add3A_116 = vector.broadcast %add3A_115 : f32 to vector<16xf32>
    %add3A_117 = arith.addf %sub3A_114, %add3A_116 : vector<16xf32>
    %sub3A_118 = arith.subf %get3A_8, %get3A_12 : vector<16xf32>
    %add3A_119 = arith.constant 9.99999997E-7 : f32
    %add3A_120 = vector.broadcast %add3A_119 : f32 to vector<16xf32>
    %add3A_121 = arith.addf %sub3A_118, %add3A_120 : vector<16xf32>
    %mul3A_122 = arith.mulf %add3A_117, %add3A_117 : vector<16xf32>
    %mul3A_123 = arith.mulf %add3A_121, %add3A_121 : vector<16xf32>
    %add3A_124 = arith.addf %mul3A_122, %mul3A_123 : vector<16xf32>
    %bitcast3A_125 = vector.bitcast %add3A_124 : vector<16xf32> to vector<16xi32>
    %shift_right_arithmetic3A_126 = arith.constant 1 : i32
    %shift_right_arithmetic3A_127 = vector.broadcast %shift_right_arithmetic3A_126 : i32 to vector<16xi32>
    %shift_right_arithmetic3A_128 = arith.shrsi %bitcast3A_125, %shift_right_arithmetic3A_127 : vector<16xi32>
    %sub3A_129 = arith.constant 1597463007 : i32
    %sub3A_130 = vector.broadcast %sub3A_129 : i32 to vector<16xi32>
    %sub3A_131 = arith.subi %sub3A_130, %shift_right_arithmetic3A_128 : vector<16xi32>
    %bitcast3A_132 = vector.bitcast %sub3A_131 : vector<16xi32> to vector<16xf32>
    %mul3A_133 = arith.constant 5.000000e-01 : f32
    %mul3A_134 = vector.broadcast %mul3A_133 : f32 to vector<16xf32>
    %mul3A_135 = arith.mulf %mul3A_134, %add3A_124 : vector<16xf32>
    %mul3A_136 = arith.mulf %mul3A_135, %bitcast3A_132 : vector<16xf32>
    %mul3A_137 = arith.mulf %mul3A_136, %bitcast3A_132 : vector<16xf32>
    %sub3A_138 = arith.constant 1.500000e+00 : f32
    %sub3A_139 = vector.broadcast %sub3A_138 : f32 to vector<16xf32>
    %sub3A_140 = arith.subf %sub3A_139, %mul3A_137 : vector<16xf32>
    %mul3A_141 = arith.mulf %bitcast3A_132, %sub3A_140 : vector<16xf32>
    %mul3A_142 = arith.constant 5.000000e-01 : f32
    %mul3A_143 = vector.broadcast %mul3A_142 : f32 to vector<16xf32>
    %mul3A_144 = arith.mulf %mul3A_143, %add3A_124 : vector<16xf32>
    %mul3A_145 = arith.mulf %mul3A_144, %mul3A_141 : vector<16xf32>
    %mul3A_146 = arith.mulf %mul3A_145, %mul3A_141 : vector<16xf32>
    %sub3A_147 = arith.constant 1.500000e+00 : f32
    %sub3A_148 = vector.broadcast %sub3A_147 : f32 to vector<16xf32>
    %sub3A_149 = arith.subf %sub3A_148, %mul3A_146 : vector<16xf32>
    %mul3A_150 = arith.mulf %mul3A_141, %sub3A_149 : vector<16xf32>
    %mul3A_151 = arith.constant 5.000000e-01 : f32
    %mul3A_152 = vector.broadcast %mul3A_151 : f32 to vector<16xf32>
    %mul3A_153 = arith.mulf %mul3A_152, %add3A_124 : vector<16xf32>
    %mul3A_154 = arith.mulf %mul3A_153, %mul3A_150 : vector<16xf32>
    %mul3A_155 = arith.mulf %mul3A_154, %mul3A_150 : vector<16xf32>
    %sub3A_156 = arith.constant 1.500000e+00 : f32
    %sub3A_157 = vector.broadcast %sub3A_156 : f32 to vector<16xf32>
    %sub3A_158 = arith.subf %sub3A_157, %mul3A_155 : vector<16xf32>
    %mul3A_159 = arith.mulf %mul3A_150, %sub3A_158 : vector<16xf32>
    %mul3A_160 = arith.mulf %add3A_117, %mul3A_159 : vector<16xf32>
    %mul3A_161 = arith.mulf %add3A_121, %mul3A_159 : vector<16xf32>
    %mul3A_162 = arith.mulf %add3A_124, %mul3A_159 : vector<16xf32>
    %max3A_163 = arith.maximumf %mul3A_113, %mul3A_162 : vector<16xf32>
    %convert_element_type3A = arith.fptosi %max3A_163 : vector<16xf32> to vector<16xi32>
    %reduce_max3A_164 = arith.constant true
    %reduce_max3A_165 = vector.broadcast %reduce_max3A_164 : i1 to vector<16xi1>
    %reduce_max3A_166 = arith.constant -2147483648 : i32
    %reduce_max3A_167 = vector.broadcast %reduce_max3A_166 : i32 to vector<16xi32>
    %reduce_max3A_168 = arith.xori %convert_element_type3A, %reduce_max3A_167 : vector<16xi32>
    %reduce_max3A_169 = tpu.scan <max>, %reduce_max3A_168 masked %reduce_max3A_165 : vector<16xi32>, vector<16xi1> -> vector<16xi32>
    %reduce_max3A_170 = arith.xori %reduce_max3A_169, %reduce_max3A_167 : vector<16xi32>
    %reduce_max3A_171 = vector.extract %reduce_max3A_170[15] : i32 from vector<16xi32>
    %add3A_172 = arith.constant 3 : i32
    %add3A_173 = arith.addi %reduce_max3A_171, %add3A_172 : i32
    %min3A_174 = arith.constant 144 : i32
    %min3A_175 = arith.minsi %add3A_173, %min3A_174 : i32
    %broadcast_in_dim3A_176 = arith.constant 0.000000e+00 : f32
    %broadcast_in_dim3A_177 = vector.broadcast %broadcast_in_dim3A_176 : f32 to vector<16xf32>
    %broadcast_in_dim3A_178 = arith.constant 0 : i32
    %broadcast_in_dim3A_179 = vector.broadcast %broadcast_in_dim3A_178 : i32 to vector<16xi32>
    %sub3A_180 = arith.constant 1048576 : i32
    %sub3A_181 = vector.broadcast %sub3A_180 : i32 to vector<16xi32>
    %sub3A_182 = arith.subi %broadcast_in_dim3A_179, %sub3A_181 : vector<16xi32>
    %dma_wait3A = arith.constant 0 : i32
    %dma_wait3A_183 = tpu.memref_slice %arg3[%add3A, %dma_wait3A] : memref<32x2560xi32, #tpu.memory_space<hbm>> -> memref<1x2560xi32, #tpu.memory_space<hbm>>
    %dma_wait3A_184 = tpu.memref_squeeze %dma_wait3A_183 : memref<1x2560xi32, #tpu.memory_space<hbm>> -> memref<2560xi32, #tpu.memory_space<hbm>>
    %dma_wait3A_185 = arith.constant 0 : i32
    %dma_wait3A_186 = tpu.memref_slice %arg3[%add3A, %dma_wait3A_185] : memref<32x2560xi32, #tpu.memory_space<hbm>> -> memref<1x2560xi32, #tpu.memory_space<hbm>>
    %dma_wait3A_187 = tpu.memref_squeeze %dma_wait3A_186 : memref<1x2560xi32, #tpu.memory_space<hbm>> -> memref<2560xi32, #tpu.memory_space<hbm>>
    tpu.wait_dma2 semaphore(%arg8 : memref<!tpu.dma_semaphore, #tpu.memory_space<semaphore_mem>>) src(%dma_wait3A_187 : memref<2560xi32, #tpu.memory_space<hbm>>) dst(%arg5 : memref<2560xi32, #tpu.memory_space<vmem>>)
    %add3A_188 = arith.constant 1 : i32
    %add3A_189 = arith.addi %min3A_175, %add3A_188 : i32
    %shift_right_arithmetic3A_190 = arith.constant 1 : i32
    %shift_right_arithmetic3A_191 = arith.shrsi %add3A_189, %shift_right_arithmetic3A_190 : i32
    %while3A = arith.constant 0 : i32
    %while3A_192 = arith.subi %shift_right_arithmetic3A_191, %while3A : i32
    %while3A_193 = arith.addi %while3A, %while3A_192 : i32
    %while3A_194 = arith.constant 1 : i32
    %while3A_195 = arith.divsi %while3A_192, %while3A_194 : i32
    %while3A_196 = arith.muli %while3A_195, %while3A_194 : i32
    %while3A_197 = arith.addi %while3A, %while3A_196 : i32
    %while3A_198 = arith.constant 1 : i32
    %while3A_199:4 = scf.for %while3A_221 = %while3A to %while3A_197 step %while3A_198 iter_args(%while3A_222 = %broadcast_in_dim3A_177, %while3A_223 = %broadcast_in_dim3A_177, %while3A_224 = %sub3A_182, %while3A_225 = %sub3A_182) -> (vector<16xf32>, vector<16xf32>, vector<16xi32>, vector<16xi32>)  : i32 {
      %mul3A_226 = arith.constant 2 : i32
      %mul3A_227 = arith.muli %while3A_221, %mul3A_226 : i32
      %convert_element_type3A_228 = arith.sitofp %mul3A_227 : i32 to f32
      %mul3A_229 = vector.broadcast %convert_element_type3A_228 : f32 to vector<16xf32>
      %mul3A_230 = arith.mulf %mul3A_229, %mul3A_111 : vector<16xf32>
      %add3A_231 = arith.addf %get3A_6, %mul3A_230 : vector<16xf32>
      %mul3A_232 = vector.broadcast %convert_element_type3A_228 : f32 to vector<16xf32>
      %mul3A_233 = arith.mulf %mul3A_232, %mul3A_112 : vector<16xf32>
      %add3A_234 = arith.addf %get3A_8, %mul3A_233 : vector<16xf32>
      %le3A = arith.cmpf ole, %add3A_231, %add3A_56 : vector<16xf32>
      %ge3A = arith.cmpf oge, %add3A_231, %sub3A_53 : vector<16xf32>
      %and3A = arith.andi %le3A, %ge3A : vector<16xi1>
      %le3A_235 = arith.cmpf ole, %add3A_234, %add3A_64 : vector<16xf32>
      %and3A_236 = arith.andi %and3A, %le3A_235 : vector<16xi1>
      %ge3A_237 = arith.cmpf oge, %add3A_234, %sub3A_60 : vector<16xf32>
      %and3A_238 = arith.andi %and3A_236, %ge3A_237 : vector<16xi1>
      %convert_element_type3A_239 = arith.fptosi %add3A_231 : vector<16xf32> to vector<16xi32>
      %ne3A = arith.cmpi ne, %convert_element_type3A_239, %while3A_224 : vector<16xi32>
      %and3A_240 = arith.andi %and3A_238, %ne3A : vector<16xi1>
      %convert_element_type3A_241 = arith.fptosi %add3A_234 : vector<16xf32> to vector<16xi32>
      %convert_element_type3A_242 = arith.sitofp %convert_element_type3A_239 : vector<16xi32> to vector<16xf32>
      %sub3A_243 = arith.subf %add3A_231, %convert_element_type3A_242 : vector<16xf32>
      %convert_element_type3A_244 = arith.sitofp %convert_element_type3A_241 : vector<16xi32> to vector<16xf32>
      %sub3A_245 = arith.subf %add3A_234, %convert_element_type3A_244 : vector<16xf32>
      %add3A_246 = arith.constant 1 : i32
      %add3A_247 = vector.broadcast %add3A_246 : i32 to vector<16xi32>
      %add3A_248 = arith.addi %convert_element_type3A_241, %add3A_247 : vector<16xi32>
      %shift_right_arithmetic3A_249 = arith.constant 2 : i32
      %shift_right_arithmetic3A_250 = vector.broadcast %shift_right_arithmetic3A_249 : i32 to vector<16xi32>
      %shift_right_arithmetic3A_251 = arith.shrsi %convert_element_type3A_241, %shift_right_arithmetic3A_250 : vector<16xi32>
      %mul3A_252 = arith.constant 100 : i32
      %mul3A_253 = vector.broadcast %mul3A_252 : i32 to vector<16xi32>
      %mul3A_254 = arith.muli %shift_right_arithmetic3A_251, %mul3A_253 : vector<16xi32>
      %add3A_255 = arith.addi %mul3A_254, %convert_element_type3A_239 : vector<16xi32>
      %shift_right_arithmetic3A_256 = arith.constant 2 : i32
      %shift_right_arithmetic3A_257 = vector.broadcast %shift_right_arithmetic3A_256 : i32 to vector<16xi32>
      %shift_right_arithmetic3A_258 = arith.shrsi %add3A_248, %shift_right_arithmetic3A_257 : vector<16xi32>
      %mul3A_259 = arith.constant 100 : i32
      %mul3A_260 = vector.broadcast %mul3A_259 : i32 to vector<16xi32>
      %mul3A_261 = arith.muli %shift_right_arithmetic3A_258, %mul3A_260 : vector<16xi32>
      %add3A_262 = arith.addi %mul3A_261, %convert_element_type3A_239 : vector<16xi32>
      %and3A_263 = arith.constant 3 : i32
      %and3A_264 = vector.broadcast %and3A_263 : i32 to vector<16xi32>
      %and3A_265 = arith.andi %convert_element_type3A_241, %and3A_264 : vector<16xi32>
      %shift_left3A = arith.constant 3 : i32
      %shift_left3A_266 = vector.broadcast %shift_left3A : i32 to vector<16xi32>
      %shift_left3A_267 = arith.shli %and3A_265, %shift_left3A_266 : vector<16xi32>
      %and3A_268 = arith.constant 3 : i32
      %and3A_269 = vector.broadcast %and3A_268 : i32 to vector<16xi32>
      %and3A_270 = arith.andi %add3A_248, %and3A_269 : vector<16xi32>
      %shift_left3A_271 = arith.constant 3 : i32
      %shift_left3A_272 = vector.broadcast %shift_left3A_271 : i32 to vector<16xi32>
      %shift_left3A_273 = arith.shli %and3A_270, %shift_left3A_272 : vector<16xi32>
      %gather3A = tpu.vector_load_idx %arg5[%add3A_255] masked %and3A_240 : memref<2560xi32, #tpu.memory_space<vmem>>[vector<16xi32>], vector<16xi32>, vector<16xi1>
      %shift_right_arithmetic3A_274 = arith.shrsi %gather3A, %shift_left3A_267 : vector<16xi32>
      %and3A_275 = arith.constant 1 : i32
      %and3A_276 = vector.broadcast %and3A_275 : i32 to vector<16xi32>
      %and3A_277 = arith.andi %shift_right_arithmetic3A_274, %and3A_276 : vector<16xi32>
      %convert_element_type3A_278 = arith.sitofp %and3A_277 : vector<16xi32> to vector<16xf32>
      %gather3A_279 = tpu.vector_load_idx %arg5[%add3A_262] masked %and3A_240 : memref<2560xi32, #tpu.memory_space<vmem>>[vector<16xi32>], vector<16xi32>, vector<16xi1>
      %shift_right_arithmetic3A_280 = arith.shrsi %gather3A_279, %shift_left3A_273 : vector<16xi32>
      %and3A_281 = arith.constant 1 : i32
      %and3A_282 = vector.broadcast %and3A_281 : i32 to vector<16xi32>
      %and3A_283 = arith.andi %shift_right_arithmetic3A_280, %and3A_282 : vector<16xi32>
      %convert_element_type3A_284 = arith.sitofp %and3A_283 : vector<16xi32> to vector<16xf32>
      %add3A_285 = arith.constant 1 : i32
      %add3A_286 = vector.broadcast %add3A_285 : i32 to vector<16xi32>
      %add3A_287 = arith.addi %add3A_255, %add3A_286 : vector<16xi32>
      %gather3A_288 = tpu.vector_load_idx %arg5[%add3A_287] masked %and3A_240 : memref<2560xi32, #tpu.memory_space<vmem>>[vector<16xi32>], vector<16xi32>, vector<16xi1>
      %shift_right_arithmetic3A_289 = arith.shrsi %gather3A_288, %shift_left3A_267 : vector<16xi32>
      %and3A_290 = arith.constant 1 : i32
      %and3A_291 = vector.broadcast %and3A_290 : i32 to vector<16xi32>
      %and3A_292 = arith.andi %shift_right_arithmetic3A_289, %and3A_291 : vector<16xi32>
      %convert_element_type3A_293 = arith.sitofp %and3A_292 : vector<16xi32> to vector<16xf32>
      %add3A_294 = arith.constant 1 : i32
      %add3A_295 = vector.broadcast %add3A_294 : i32 to vector<16xi32>
      %add3A_296 = arith.addi %add3A_262, %add3A_295 : vector<16xi32>
      %gather3A_297 = tpu.vector_load_idx %arg5[%add3A_296] masked %and3A_240 : memref<2560xi32, #tpu.memory_space<vmem>>[vector<16xi32>], vector<16xi32>, vector<16xi1>
      %shift_right_arithmetic3A_298 = arith.shrsi %gather3A_297, %shift_left3A_273 : vector<16xi32>
      %and3A_299 = arith.constant 1 : i32
      %and3A_300 = vector.broadcast %and3A_299 : i32 to vector<16xi32>
      %and3A_301 = arith.andi %shift_right_arithmetic3A_298, %and3A_300 : vector<16xi32>
      %convert_element_type3A_302 = arith.sitofp %and3A_301 : vector<16xi32> to vector<16xf32>
      %sub3A_303 = arith.subf %convert_element_type3A_284, %convert_element_type3A_278 : vector<16xf32>
      %mul3A_304 = arith.mulf %sub3A_245, %sub3A_303 : vector<16xf32>
      %add3A_305 = arith.addf %convert_element_type3A_278, %mul3A_304 : vector<16xf32>
      %sub3A_306 = arith.subf %convert_element_type3A_302, %convert_element_type3A_293 : vector<16xf32>
      %mul3A_307 = arith.mulf %sub3A_245, %sub3A_306 : vector<16xf32>
      %add3A_308 = arith.addf %convert_element_type3A_293, %mul3A_307 : vector<16xf32>
      %sub3A_309 = arith.subf %add3A_308, %add3A_305 : vector<16xf32>
      %mul3A_310 = arith.mulf %sub3A_243, %sub3A_309 : vector<16xf32>
      %add3A_311 = arith.addf %add3A_305, %mul3A_310 : vector<16xf32>
      %jit3A_312 = arith.constant 0.000000e+00 : f32
      %broadcast_in_dim3A_313 = vector.broadcast %jit3A_312 : f32 to vector<16xf32>
      %select_n3A_314 = arith.select %and3A_240, %add3A_311, %broadcast_in_dim3A_313 : vector<16xi1>, vector<16xf32>
      %mul3A_315 = vector.broadcast %convert_element_type3A_228 : f32 to vector<16xf32>
      %mul3A_316 = arith.mulf %mul3A_315, %mul3A_160 : vector<16xf32>
      %add3A_317 = arith.addf %get3A_10, %mul3A_316 : vector<16xf32>
      %mul3A_318 = vector.broadcast %convert_element_type3A_228 : f32 to vector<16xf32>
      %mul3A_319 = arith.mulf %mul3A_318, %mul3A_161 : vector<16xf32>
      %add3A_320 = arith.addf %get3A_12, %mul3A_319 : vector<16xf32>
      %le3A_321 = arith.cmpf ole, %add3A_317, %add3A_56 : vector<16xf32>
      %ge3A_322 = arith.cmpf oge, %add3A_317, %sub3A_53 : vector<16xf32>
      %and3A_323 = arith.andi %le3A_321, %ge3A_322 : vector<16xi1>
      %le3A_324 = arith.cmpf ole, %add3A_320, %add3A_64 : vector<16xf32>
      %and3A_325 = arith.andi %and3A_323, %le3A_324 : vector<16xi1>
      %ge3A_326 = arith.cmpf oge, %add3A_320, %sub3A_60 : vector<16xf32>
      %and3A_327 = arith.andi %and3A_325, %ge3A_326 : vector<16xi1>
      %convert_element_type3A_328 = arith.fptosi %add3A_317 : vector<16xf32> to vector<16xi32>
      %ne3A_329 = arith.cmpi ne, %convert_element_type3A_328, %while3A_225 : vector<16xi32>
      %and3A_330 = arith.andi %and3A_327, %ne3A_329 : vector<16xi1>
      %convert_element_type3A_331 = arith.fptosi %add3A_320 : vector<16xf32> to vector<16xi32>
      %convert_element_type3A_332 = arith.sitofp %convert_element_type3A_328 : vector<16xi32> to vector<16xf32>
      %sub3A_333 = arith.subf %add3A_317, %convert_element_type3A_332 : vector<16xf32>
      %convert_element_type3A_334 = arith.sitofp %convert_element_type3A_331 : vector<16xi32> to vector<16xf32>
      %sub3A_335 = arith.subf %add3A_320, %convert_element_type3A_334 : vector<16xf32>
      %add3A_336 = arith.constant 1 : i32
      %add3A_337 = vector.broadcast %add3A_336 : i32 to vector<16xi32>
      %add3A_338 = arith.addi %convert_element_type3A_331, %add3A_337 : vector<16xi32>
      %shift_right_arithmetic3A_339 = arith.constant 2 : i32
      %shift_right_arithmetic3A_340 = vector.broadcast %shift_right_arithmetic3A_339 : i32 to vector<16xi32>
      %shift_right_arithmetic3A_341 = arith.shrsi %convert_element_type3A_331, %shift_right_arithmetic3A_340 : vector<16xi32>
      %mul3A_342 = arith.constant 100 : i32
      %mul3A_343 = vector.broadcast %mul3A_342 : i32 to vector<16xi32>
      %mul3A_344 = arith.muli %shift_right_arithmetic3A_341, %mul3A_343 : vector<16xi32>
      %add3A_345 = arith.addi %mul3A_344, %convert_element_type3A_328 : vector<16xi32>
      %shift_right_arithmetic3A_346 = arith.constant 2 : i32
      %shift_right_arithmetic3A_347 = vector.broadcast %shift_right_arithmetic3A_346 : i32 to vector<16xi32>
      %shift_right_arithmetic3A_348 = arith.shrsi %add3A_338, %shift_right_arithmetic3A_347 : vector<16xi32>
      %mul3A_349 = arith.constant 100 : i32
      %mul3A_350 = vector.broadcast %mul3A_349 : i32 to vector<16xi32>
      %mul3A_351 = arith.muli %shift_right_arithmetic3A_348, %mul3A_350 : vector<16xi32>
      %add3A_352 = arith.addi %mul3A_351, %convert_element_type3A_328 : vector<16xi32>
      %and3A_353 = arith.constant 3 : i32
      %and3A_354 = vector.broadcast %and3A_353 : i32 to vector<16xi32>
      %and3A_355 = arith.andi %convert_element_type3A_331, %and3A_354 : vector<16xi32>
      %shift_left3A_356 = arith.constant 3 : i32
      %shift_left3A_357 = vector.broadcast %shift_left3A_356 : i32 to vector<16xi32>
      %shift_left3A_358 = arith.shli %and3A_355, %shift_left3A_357 : vector<16xi32>
      %and3A_359 = arith.constant 3 : i32
      %and3A_360 = vector.broadcast %and3A_359 : i32 to vector<16xi32>
      %and3A_361 = arith.andi %add3A_338, %and3A_360 : vector<16xi32>
      %shift_left3A_362 = arith.constant 3 : i32
      %shift_left3A_363 = vector.broadcast %shift_left3A_362 : i32 to vector<16xi32>
      %shift_left3A_364 = arith.shli %and3A_361, %shift_left3A_363 : vector<16xi32>
      %gather3A_365 = tpu.vector_load_idx %arg5[%add3A_345] masked %and3A_330 : memref<2560xi32, #tpu.memory_space<vmem>>[vector<16xi32>], vector<16xi32>, vector<16xi1>
      %shift_right_arithmetic3A_366 = arith.shrsi %gather3A_365, %shift_left3A_358 : vector<16xi32>
      %and3A_367 = arith.constant 1 : i32
      %and3A_368 = vector.broadcast %and3A_367 : i32 to vector<16xi32>
      %and3A_369 = arith.andi %shift_right_arithmetic3A_366, %and3A_368 : vector<16xi32>
      %convert_element_type3A_370 = arith.sitofp %and3A_369 : vector<16xi32> to vector<16xf32>
      %gather3A_371 = tpu.vector_load_idx %arg5[%add3A_352] masked %and3A_330 : memref<2560xi32, #tpu.memory_space<vmem>>[vector<16xi32>], vector<16xi32>, vector<16xi1>
      %shift_right_arithmetic3A_372 = arith.shrsi %gather3A_371, %shift_left3A_364 : vector<16xi32>
      %and3A_373 = arith.constant 1 : i32
      %and3A_374 = vector.broadcast %and3A_373 : i32 to vector<16xi32>
      %and3A_375 = arith.andi %shift_right_arithmetic3A_372, %and3A_374 : vector<16xi32>
      %convert_element_type3A_376 = arith.sitofp %and3A_375 : vector<16xi32> to vector<16xf32>
      %add3A_377 = arith.constant 1 : i32
      %add3A_378 = vector.broadcast %add3A_377 : i32 to vector<16xi32>
      %add3A_379 = arith.addi %add3A_345, %add3A_378 : vector<16xi32>
      %gather3A_380 = tpu.vector_load_idx %arg5[%add3A_379] masked %and3A_330 : memref<2560xi32, #tpu.memory_space<vmem>>[vector<16xi32>], vector<16xi32>, vector<16xi1>
      %shift_right_arithmetic3A_381 = arith.shrsi %gather3A_380, %shift_left3A_358 : vector<16xi32>
      %and3A_382 = arith.constant 1 : i32
      %and3A_383 = vector.broadcast %and3A_382 : i32 to vector<16xi32>
      %and3A_384 = arith.andi %shift_right_arithmetic3A_381, %and3A_383 : vector<16xi32>
      %convert_element_type3A_385 = arith.sitofp %and3A_384 : vector<16xi32> to vector<16xf32>
      %add3A_386 = arith.constant 1 : i32
      %add3A_387 = vector.broadcast %add3A_386 : i32 to vector<16xi32>
      %add3A_388 = arith.addi %add3A_352, %add3A_387 : vector<16xi32>
      %gather3A_389 = tpu.vector_load_idx %arg5[%add3A_388] masked %and3A_330 : memref<2560xi32, #tpu.memory_space<vmem>>[vector<16xi32>], vector<16xi32>, vector<16xi1>
      %shift_right_arithmetic3A_390 = arith.shrsi %gather3A_389, %shift_left3A_364 : vector<16xi32>
      %and3A_391 = arith.constant 1 : i32
      %and3A_392 = vector.broadcast %and3A_391 : i32 to vector<16xi32>
      %and3A_393 = arith.andi %shift_right_arithmetic3A_390, %and3A_392 : vector<16xi32>
      %convert_element_type3A_394 = arith.sitofp %and3A_393 : vector<16xi32> to vector<16xf32>
      %sub3A_395 = arith.subf %convert_element_type3A_376, %convert_element_type3A_370 : vector<16xf32>
      %mul3A_396 = arith.mulf %sub3A_335, %sub3A_395 : vector<16xf32>
      %add3A_397 = arith.addf %convert_element_type3A_370, %mul3A_396 : vector<16xf32>
      %sub3A_398 = arith.subf %convert_element_type3A_394, %convert_element_type3A_385 : vector<16xf32>
      %mul3A_399 = arith.mulf %sub3A_335, %sub3A_398 : vector<16xf32>
      %add3A_400 = arith.addf %convert_element_type3A_385, %mul3A_399 : vector<16xf32>
      %sub3A_401 = arith.subf %add3A_400, %add3A_397 : vector<16xf32>
      %mul3A_402 = arith.mulf %sub3A_333, %sub3A_401 : vector<16xf32>
      %add3A_403 = arith.addf %add3A_397, %mul3A_402 : vector<16xf32>
      %jit3A_404 = arith.constant 0.000000e+00 : f32
      %broadcast_in_dim3A_405 = vector.broadcast %jit3A_404 : f32 to vector<16xf32>
      %select_n3A_406 = arith.select %and3A_330, %add3A_403, %broadcast_in_dim3A_405 : vector<16xi1>, vector<16xf32>
      %add3A_407 = arith.constant 1.000000e+00 : f32
      %add3A_408 = arith.addf %convert_element_type3A_228, %add3A_407 : f32
      %mul3A_409 = vector.broadcast %add3A_408 : f32 to vector<16xf32>
      %mul3A_410 = arith.mulf %mul3A_409, %mul3A_111 : vector<16xf32>
      %add3A_411 = arith.addf %get3A_6, %mul3A_410 : vector<16xf32>
      %mul3A_412 = vector.broadcast %add3A_408 : f32 to vector<16xf32>
      %mul3A_413 = arith.mulf %mul3A_412, %mul3A_112 : vector<16xf32>
      %add3A_414 = arith.addf %get3A_8, %mul3A_413 : vector<16xf32>
      %le3A_415 = arith.cmpf ole, %add3A_411, %add3A_56 : vector<16xf32>
      %ge3A_416 = arith.cmpf oge, %add3A_411, %sub3A_53 : vector<16xf32>
      %and3A_417 = arith.andi %le3A_415, %ge3A_416 : vector<16xi1>
      %le3A_418 = arith.cmpf ole, %add3A_414, %add3A_64 : vector<16xf32>
      %and3A_419 = arith.andi %and3A_417, %le3A_418 : vector<16xi1>
      %ge3A_420 = arith.cmpf oge, %add3A_414, %sub3A_60 : vector<16xf32>
      %and3A_421 = arith.andi %and3A_419, %ge3A_420 : vector<16xi1>
      %convert_element_type3A_422 = arith.fptosi %add3A_411 : vector<16xf32> to vector<16xi32>
      %ne3A_423 = arith.cmpi ne, %convert_element_type3A_422, %convert_element_type3A_239 : vector<16xi32>
      %and3A_424 = arith.andi %and3A_421, %ne3A_423 : vector<16xi1>
      %convert_element_type3A_425 = arith.fptosi %add3A_414 : vector<16xf32> to vector<16xi32>
      %convert_element_type3A_426 = arith.sitofp %convert_element_type3A_422 : vector<16xi32> to vector<16xf32>
      %sub3A_427 = arith.subf %add3A_411, %convert_element_type3A_426 : vector<16xf32>
      %convert_element_type3A_428 = arith.sitofp %convert_element_type3A_425 : vector<16xi32> to vector<16xf32>
      %sub3A_429 = arith.subf %add3A_414, %convert_element_type3A_428 : vector<16xf32>
      %add3A_430 = arith.constant 1 : i32
      %add3A_431 = vector.broadcast %add3A_430 : i32 to vector<16xi32>
      %add3A_432 = arith.addi %convert_element_type3A_425, %add3A_431 : vector<16xi32>
      %shift_right_arithmetic3A_433 = arith.constant 2 : i32
      %shift_right_arithmetic3A_434 = vector.broadcast %shift_right_arithmetic3A_433 : i32 to vector<16xi32>
      %shift_right_arithmetic3A_435 = arith.shrsi %convert_element_type3A_425, %shift_right_arithmetic3A_434 : vector<16xi32>
      %mul3A_436 = arith.constant 100 : i32
      %mul3A_437 = vector.broadcast %mul3A_436 : i32 to vector<16xi32>
      %mul3A_438 = arith.muli %shift_right_arithmetic3A_435, %mul3A_437 : vector<16xi32>
      %add3A_439 = arith.addi %mul3A_438, %convert_element_type3A_422 : vector<16xi32>
      %shift_right_arithmetic3A_440 = arith.constant 2 : i32
      %shift_right_arithmetic3A_441 = vector.broadcast %shift_right_arithmetic3A_440 : i32 to vector<16xi32>
      %shift_right_arithmetic3A_442 = arith.shrsi %add3A_432, %shift_right_arithmetic3A_441 : vector<16xi32>
      %mul3A_443 = arith.constant 100 : i32
      %mul3A_444 = vector.broadcast %mul3A_443 : i32 to vector<16xi32>
      %mul3A_445 = arith.muli %shift_right_arithmetic3A_442, %mul3A_444 : vector<16xi32>
      %add3A_446 = arith.addi %mul3A_445, %convert_element_type3A_422 : vector<16xi32>
      %and3A_447 = arith.constant 3 : i32
      %and3A_448 = vector.broadcast %and3A_447 : i32 to vector<16xi32>
      %and3A_449 = arith.andi %convert_element_type3A_425, %and3A_448 : vector<16xi32>
      %shift_left3A_450 = arith.constant 3 : i32
      %shift_left3A_451 = vector.broadcast %shift_left3A_450 : i32 to vector<16xi32>
      %shift_left3A_452 = arith.shli %and3A_449, %shift_left3A_451 : vector<16xi32>
      %and3A_453 = arith.constant 3 : i32
      %and3A_454 = vector.broadcast %and3A_453 : i32 to vector<16xi32>
      %and3A_455 = arith.andi %add3A_432, %and3A_454 : vector<16xi32>
      %shift_left3A_456 = arith.constant 3 : i32
      %shift_left3A_457 = vector.broadcast %shift_left3A_456 : i32 to vector<16xi32>
      %shift_left3A_458 = arith.shli %and3A_455, %shift_left3A_457 : vector<16xi32>
      %gather3A_459 = tpu.vector_load_idx %arg5[%add3A_439] masked %and3A_424 : memref<2560xi32, #tpu.memory_space<vmem>>[vector<16xi32>], vector<16xi32>, vector<16xi1>
      %shift_right_arithmetic3A_460 = arith.shrsi %gather3A_459, %shift_left3A_452 : vector<16xi32>
      %and3A_461 = arith.constant 1 : i32
      %and3A_462 = vector.broadcast %and3A_461 : i32 to vector<16xi32>
      %and3A_463 = arith.andi %shift_right_arithmetic3A_460, %and3A_462 : vector<16xi32>
      %convert_element_type3A_464 = arith.sitofp %and3A_463 : vector<16xi32> to vector<16xf32>
      %gather3A_465 = tpu.vector_load_idx %arg5[%add3A_446] masked %and3A_424 : memref<2560xi32, #tpu.memory_space<vmem>>[vector<16xi32>], vector<16xi32>, vector<16xi1>
      %shift_right_arithmetic3A_466 = arith.shrsi %gather3A_465, %shift_left3A_458 : vector<16xi32>
      %and3A_467 = arith.constant 1 : i32
      %and3A_468 = vector.broadcast %and3A_467 : i32 to vector<16xi32>
      %and3A_469 = arith.andi %shift_right_arithmetic3A_466, %and3A_468 : vector<16xi32>
      %convert_element_type3A_470 = arith.sitofp %and3A_469 : vector<16xi32> to vector<16xf32>
      %add3A_471 = arith.constant 1 : i32
      %add3A_472 = vector.broadcast %add3A_471 : i32 to vector<16xi32>
      %add3A_473 = arith.addi %add3A_439, %add3A_472 : vector<16xi32>
      %gather3A_474 = tpu.vector_load_idx %arg5[%add3A_473] masked %and3A_424 : memref<2560xi32, #tpu.memory_space<vmem>>[vector<16xi32>], vector<16xi32>, vector<16xi1>
      %shift_right_arithmetic3A_475 = arith.shrsi %gather3A_474, %shift_left3A_452 : vector<16xi32>
      %and3A_476 = arith.constant 1 : i32
      %and3A_477 = vector.broadcast %and3A_476 : i32 to vector<16xi32>
      %and3A_478 = arith.andi %shift_right_arithmetic3A_475, %and3A_477 : vector<16xi32>
      %convert_element_type3A_479 = arith.sitofp %and3A_478 : vector<16xi32> to vector<16xf32>
      %add3A_480 = arith.constant 1 : i32
      %add3A_481 = vector.broadcast %add3A_480 : i32 to vector<16xi32>
      %add3A_482 = arith.addi %add3A_446, %add3A_481 : vector<16xi32>
      %gather3A_483 = tpu.vector_load_idx %arg5[%add3A_482] masked %and3A_424 : memref<2560xi32, #tpu.memory_space<vmem>>[vector<16xi32>], vector<16xi32>, vector<16xi1>
      %shift_right_arithmetic3A_484 = arith.shrsi %gather3A_483, %shift_left3A_458 : vector<16xi32>
      %and3A_485 = arith.constant 1 : i32
      %and3A_486 = vector.broadcast %and3A_485 : i32 to vector<16xi32>
      %and3A_487 = arith.andi %shift_right_arithmetic3A_484, %and3A_486 : vector<16xi32>
      %convert_element_type3A_488 = arith.sitofp %and3A_487 : vector<16xi32> to vector<16xf32>
      %sub3A_489 = arith.subf %convert_element_type3A_470, %convert_element_type3A_464 : vector<16xf32>
      %mul3A_490 = arith.mulf %sub3A_429, %sub3A_489 : vector<16xf32>
      %add3A_491 = arith.addf %convert_element_type3A_464, %mul3A_490 : vector<16xf32>
      %sub3A_492 = arith.subf %convert_element_type3A_488, %convert_element_type3A_479 : vector<16xf32>
      %mul3A_493 = arith.mulf %sub3A_429, %sub3A_492 : vector<16xf32>
      %add3A_494 = arith.addf %convert_element_type3A_479, %mul3A_493 : vector<16xf32>
      %sub3A_495 = arith.subf %add3A_494, %add3A_491 : vector<16xf32>
      %mul3A_496 = arith.mulf %sub3A_427, %sub3A_495 : vector<16xf32>
      %add3A_497 = arith.addf %add3A_491, %mul3A_496 : vector<16xf32>
      %jit3A_498 = arith.constant 0.000000e+00 : f32
      %broadcast_in_dim3A_499 = vector.broadcast %jit3A_498 : f32 to vector<16xf32>
      %select_n3A_500 = arith.select %and3A_424, %add3A_497, %broadcast_in_dim3A_499 : vector<16xi1>, vector<16xf32>
      %add3A_501 = arith.constant 1.000000e+00 : f32
      %add3A_502 = arith.addf %convert_element_type3A_228, %add3A_501 : f32
      %mul3A_503 = vector.broadcast %add3A_502 : f32 to vector<16xf32>
      %mul3A_504 = arith.mulf %mul3A_503, %mul3A_160 : vector<16xf32>
      %add3A_505 = arith.addf %get3A_10, %mul3A_504 : vector<16xf32>
      %mul3A_506 = vector.broadcast %add3A_502 : f32 to vector<16xf32>
      %mul3A_507 = arith.mulf %mul3A_506, %mul3A_161 : vector<16xf32>
      %add3A_508 = arith.addf %get3A_12, %mul3A_507 : vector<16xf32>
      %le3A_509 = arith.cmpf ole, %add3A_505, %add3A_56 : vector<16xf32>
      %ge3A_510 = arith.cmpf oge, %add3A_505, %sub3A_53 : vector<16xf32>
      %and3A_511 = arith.andi %le3A_509, %ge3A_510 : vector<16xi1>
      %le3A_512 = arith.cmpf ole, %add3A_508, %add3A_64 : vector<16xf32>
      %and3A_513 = arith.andi %and3A_511, %le3A_512 : vector<16xi1>
      %ge3A_514 = arith.cmpf oge, %add3A_508, %sub3A_60 : vector<16xf32>
      %and3A_515 = arith.andi %and3A_513, %ge3A_514 : vector<16xi1>
      %convert_element_type3A_516 = arith.fptosi %add3A_505 : vector<16xf32> to vector<16xi32>
      %ne3A_517 = arith.cmpi ne, %convert_element_type3A_516, %convert_element_type3A_328 : vector<16xi32>
      %and3A_518 = arith.andi %and3A_515, %ne3A_517 : vector<16xi1>
      %convert_element_type3A_519 = arith.fptosi %add3A_508 : vector<16xf32> to vector<16xi32>
      %convert_element_type3A_520 = arith.sitofp %convert_element_type3A_516 : vector<16xi32> to vector<16xf32>
      %sub3A_521 = arith.subf %add3A_505, %convert_element_type3A_520 : vector<16xf32>
      %convert_element_type3A_522 = arith.sitofp %convert_element_type3A_519 : vector<16xi32> to vector<16xf32>
      %sub3A_523 = arith.subf %add3A_508, %convert_element_type3A_522 : vector<16xf32>
      %add3A_524 = arith.constant 1 : i32
      %add3A_525 = vector.broadcast %add3A_524 : i32 to vector<16xi32>
      %add3A_526 = arith.addi %convert_element_type3A_519, %add3A_525 : vector<16xi32>
      %shift_right_arithmetic3A_527 = arith.constant 2 : i32
      %shift_right_arithmetic3A_528 = vector.broadcast %shift_right_arithmetic3A_527 : i32 to vector<16xi32>
      %shift_right_arithmetic3A_529 = arith.shrsi %convert_element_type3A_519, %shift_right_arithmetic3A_528 : vector<16xi32>
      %mul3A_530 = arith.constant 100 : i32
      %mul3A_531 = vector.broadcast %mul3A_530 : i32 to vector<16xi32>
      %mul3A_532 = arith.muli %shift_right_arithmetic3A_529, %mul3A_531 : vector<16xi32>
      %add3A_533 = arith.addi %mul3A_532, %convert_element_type3A_516 : vector<16xi32>
      %shift_right_arithmetic3A_534 = arith.constant 2 : i32
      %shift_right_arithmetic3A_535 = vector.broadcast %shift_right_arithmetic3A_534 : i32 to vector<16xi32>
      %shift_right_arithmetic3A_536 = arith.shrsi %add3A_526, %shift_right_arithmetic3A_535 : vector<16xi32>
      %mul3A_537 = arith.constant 100 : i32
      %mul3A_538 = vector.broadcast %mul3A_537 : i32 to vector<16xi32>
      %mul3A_539 = arith.muli %shift_right_arithmetic3A_536, %mul3A_538 : vector<16xi32>
      %add3A_540 = arith.addi %mul3A_539, %convert_element_type3A_516 : vector<16xi32>
      %and3A_541 = arith.constant 3 : i32
      %and3A_542 = vector.broadcast %and3A_541 : i32 to vector<16xi32>
      %and3A_543 = arith.andi %convert_element_type3A_519, %and3A_542 : vector<16xi32>
      %shift_left3A_544 = arith.constant 3 : i32
      %shift_left3A_545 = vector.broadcast %shift_left3A_544 : i32 to vector<16xi32>
      %shift_left3A_546 = arith.shli %and3A_543, %shift_left3A_545 : vector<16xi32>
      %and3A_547 = arith.constant 3 : i32
      %and3A_548 = vector.broadcast %and3A_547 : i32 to vector<16xi32>
      %and3A_549 = arith.andi %add3A_526, %and3A_548 : vector<16xi32>
      %shift_left3A_550 = arith.constant 3 : i32
      %shift_left3A_551 = vector.broadcast %shift_left3A_550 : i32 to vector<16xi32>
      %shift_left3A_552 = arith.shli %and3A_549, %shift_left3A_551 : vector<16xi32>
      %gather3A_553 = tpu.vector_load_idx %arg5[%add3A_533] masked %and3A_518 : memref<2560xi32, #tpu.memory_space<vmem>>[vector<16xi32>], vector<16xi32>, vector<16xi1>
      %shift_right_arithmetic3A_554 = arith.shrsi %gather3A_553, %shift_left3A_546 : vector<16xi32>
      %and3A_555 = arith.constant 1 : i32
      %and3A_556 = vector.broadcast %and3A_555 : i32 to vector<16xi32>
      %and3A_557 = arith.andi %shift_right_arithmetic3A_554, %and3A_556 : vector<16xi32>
      %convert_element_type3A_558 = arith.sitofp %and3A_557 : vector<16xi32> to vector<16xf32>
      %gather3A_559 = tpu.vector_load_idx %arg5[%add3A_540] masked %and3A_518 : memref<2560xi32, #tpu.memory_space<vmem>>[vector<16xi32>], vector<16xi32>, vector<16xi1>
      %shift_right_arithmetic3A_560 = arith.shrsi %gather3A_559, %shift_left3A_552 : vector<16xi32>
      %and3A_561 = arith.constant 1 : i32
      %and3A_562 = vector.broadcast %and3A_561 : i32 to vector<16xi32>
      %and3A_563 = arith.andi %shift_right_arithmetic3A_560, %and3A_562 : vector<16xi32>
      %convert_element_type3A_564 = arith.sitofp %and3A_563 : vector<16xi32> to vector<16xf32>
      %add3A_565 = arith.constant 1 : i32
      %add3A_566 = vector.broadcast %add3A_565 : i32 to vector<16xi32>
      %add3A_567 = arith.addi %add3A_533, %add3A_566 : vector<16xi32>
      %gather3A_568 = tpu.vector_load_idx %arg5[%add3A_567] masked %and3A_518 : memref<2560xi32, #tpu.memory_space<vmem>>[vector<16xi32>], vector<16xi32>, vector<16xi1>
      %shift_right_arithmetic3A_569 = arith.shrsi %gather3A_568, %shift_left3A_546 : vector<16xi32>
      %and3A_570 = arith.constant 1 : i32
      %and3A_571 = vector.broadcast %and3A_570 : i32 to vector<16xi32>
      %and3A_572 = arith.andi %shift_right_arithmetic3A_569, %and3A_571 : vector<16xi32>
      %convert_element_type3A_573 = arith.sitofp %and3A_572 : vector<16xi32> to vector<16xf32>
      %add3A_574 = arith.constant 1 : i32
      %add3A_575 = vector.broadcast %add3A_574 : i32 to vector<16xi32>
      %add3A_576 = arith.addi %add3A_540, %add3A_575 : vector<16xi32>
      %gather3A_577 = tpu.vector_load_idx %arg5[%add3A_576] masked %and3A_518 : memref<2560xi32, #tpu.memory_space<vmem>>[vector<16xi32>], vector<16xi32>, vector<16xi1>
      %shift_right_arithmetic3A_578 = arith.shrsi %gather3A_577, %shift_left3A_552 : vector<16xi32>
      %and3A_579 = arith.constant 1 : i32
      %and3A_580 = vector.broadcast %and3A_579 : i32 to vector<16xi32>
      %and3A_581 = arith.andi %shift_right_arithmetic3A_578, %and3A_580 : vector<16xi32>
      %convert_element_type3A_582 = arith.sitofp %and3A_581 : vector<16xi32> to vector<16xf32>
      %sub3A_583 = arith.subf %convert_element_type3A_564, %convert_element_type3A_558 : vector<16xf32>
      %mul3A_584 = arith.mulf %sub3A_523, %sub3A_583 : vector<16xf32>
      %add3A_585 = arith.addf %convert_element_type3A_558, %mul3A_584 : vector<16xf32>
      %sub3A_586 = arith.subf %convert_element_type3A_582, %convert_element_type3A_573 : vector<16xf32>
      %mul3A_587 = arith.mulf %sub3A_523, %sub3A_586 : vector<16xf32>
      %add3A_588 = arith.addf %convert_element_type3A_573, %mul3A_587 : vector<16xf32>
      %sub3A_589 = arith.subf %add3A_588, %add3A_585 : vector<16xf32>
      %mul3A_590 = arith.mulf %sub3A_521, %sub3A_589 : vector<16xf32>
      %add3A_591 = arith.addf %add3A_585, %mul3A_590 : vector<16xf32>
      %jit3A_592 = arith.constant 0.000000e+00 : f32
      %broadcast_in_dim3A_593 = vector.broadcast %jit3A_592 : f32 to vector<16xf32>
      %select_n3A_594 = arith.select %and3A_518, %add3A_591, %broadcast_in_dim3A_593 : vector<16xi1>, vector<16xf32>
      %add3A_595 = arith.addf %select_n3A_314, %select_n3A_500 : vector<16xf32>
      %add3A_596 = arith.addf %while3A_222, %add3A_595 : vector<16xf32>
      %add3A_597 = arith.addf %select_n3A_406, %select_n3A_594 : vector<16xf32>
      %add3A_598 = arith.addf %while3A_223, %add3A_597 : vector<16xf32>
      scf.yield %add3A_596, %add3A_598, %convert_element_type3A_422, %convert_element_type3A_516 : vector<16xf32>, vector<16xf32>, vector<16xi32>, vector<16xi32>
    }
    %while3A_200 = arith.constant 1 : i32
    %while3A_201:4 = scf.for %while3A_221 = %while3A_197 to %while3A_193 step %while3A_200 iter_args(%while3A_222 = %while3A_199#0, %while3A_223 = %while3A_199#1, %while3A_224 = %while3A_199#2, %while3A_225 = %while3A_199#3) -> (vector<16xf32>, vector<16xf32>, vector<16xi32>, vector<16xi32>)  : i32 {
      %mul3A_226 = arith.constant 2 : i32
      %mul3A_227 = arith.muli %while3A_221, %mul3A_226 : i32
      %convert_element_type3A_228 = arith.sitofp %mul3A_227 : i32 to f32
      %mul3A_229 = vector.broadcast %convert_element_type3A_228 : f32 to vector<16xf32>
      %mul3A_230 = arith.mulf %mul3A_229, %mul3A_111 : vector<16xf32>
      %add3A_231 = arith.addf %get3A_6, %mul3A_230 : vector<16xf32>
      %mul3A_232 = vector.broadcast %convert_element_type3A_228 : f32 to vector<16xf32>
      %mul3A_233 = arith.mulf %mul3A_232, %mul3A_112 : vector<16xf32>
      %add3A_234 = arith.addf %get3A_8, %mul3A_233 : vector<16xf32>
      %le3A = arith.cmpf ole, %add3A_231, %add3A_56 : vector<16xf32>
      %ge3A = arith.cmpf oge, %add3A_231, %sub3A_53 : vector<16xf32>
      %and3A = arith.andi %le3A, %ge3A : vector<16xi1>
      %le3A_235 = arith.cmpf ole, %add3A_234, %add3A_64 : vector<16xf32>
      %and3A_236 = arith.andi %and3A, %le3A_235 : vector<16xi1>
      %ge3A_237 = arith.cmpf oge, %add3A_234, %sub3A_60 : vector<16xf32>
      %and3A_238 = arith.andi %and3A_236, %ge3A_237 : vector<16xi1>
      %convert_element_type3A_239 = arith.fptosi %add3A_231 : vector<16xf32> to vector<16xi32>
      %ne3A = arith.cmpi ne, %convert_element_type3A_239, %while3A_224 : vector<16xi32>
      %and3A_240 = arith.andi %and3A_238, %ne3A : vector<16xi1>
      %convert_element_type3A_241 = arith.fptosi %add3A_234 : vector<16xf32> to vector<16xi32>
      %convert_element_type3A_242 = arith.sitofp %convert_element_type3A_239 : vector<16xi32> to vector<16xf32>
      %sub3A_243 = arith.subf %add3A_231, %convert_element_type3A_242 : vector<16xf32>
      %convert_element_type3A_244 = arith.sitofp %convert_element_type3A_241 : vector<16xi32> to vector<16xf32>
      %sub3A_245 = arith.subf %add3A_234, %convert_element_type3A_244 : vector<16xf32>
      %add3A_246 = arith.constant 1 : i32
      %add3A_247 = vector.broadcast %add3A_246 : i32 to vector<16xi32>
      %add3A_248 = arith.addi %convert_element_type3A_241, %add3A_247 : vector<16xi32>
      %shift_right_arithmetic3A_249 = arith.constant 2 : i32
      %shift_right_arithmetic3A_250 = vector.broadcast %shift_right_arithmetic3A_249 : i32 to vector<16xi32>
      %shift_right_arithmetic3A_251 = arith.shrsi %convert_element_type3A_241, %shift_right_arithmetic3A_250 : vector<16xi32>
      %mul3A_252 = arith.constant 100 : i32
      %mul3A_253 = vector.broadcast %mul3A_252 : i32 to vector<16xi32>
      %mul3A_254 = arith.muli %shift_right_arithmetic3A_251, %mul3A_253 : vector<16xi32>
      %add3A_255 = arith.addi %mul3A_254, %convert_element_type3A_239 : vector<16xi32>
      %shift_right_arithmetic3A_256 = arith.constant 2 : i32
      %shift_right_arithmetic3A_257 = vector.broadcast %shift_right_arithmetic3A_256 : i32 to vector<16xi32>
      %shift_right_arithmetic3A_258 = arith.shrsi %add3A_248, %shift_right_arithmetic3A_257 : vector<16xi32>
      %mul3A_259 = arith.constant 100 : i32
      %mul3A_260 = vector.broadcast %mul3A_259 : i32 to vector<16xi32>
      %mul3A_261 = arith.muli %shift_right_arithmetic3A_258, %mul3A_260 : vector<16xi32>
      %add3A_262 = arith.addi %mul3A_261, %convert_element_type3A_239 : vector<16xi32>
      %and3A_263 = arith.constant 3 : i32
      %and3A_264 = vector.broadcast %and3A_263 : i32 to vector<16xi32>
      %and3A_265 = arith.andi %convert_element_type3A_241, %and3A_264 : vector<16xi32>
      %shift_left3A = arith.constant 3 : i32
      %shift_left3A_266 = vector.broadcast %shift_left3A : i32 to vector<16xi32>
      %shift_left3A_267 = arith.shli %and3A_265, %shift_left3A_266 : vector<16xi32>
      %and3A_268 = arith.constant 3 : i32
      %and3A_269 = vector.broadcast %and3A_268 : i32 to vector<16xi32>
      %and3A_270 = arith.andi %add3A_248, %and3A_269 : vector<16xi32>
      %shift_left3A_271 = arith.constant 3 : i32
      %shift_left3A_272 = vector.broadcast %shift_left3A_271 : i32 to vector<16xi32>
      %shift_left3A_273 = arith.shli %and3A_270, %shift_left3A_272 : vector<16xi32>
      %gather3A = tpu.vector_load_idx %arg5[%add3A_255] masked %and3A_240 : memref<2560xi32, #tpu.memory_space<vmem>>[vector<16xi32>], vector<16xi32>, vector<16xi1>
      %shift_right_arithmetic3A_274 = arith.shrsi %gather3A, %shift_left3A_267 : vector<16xi32>
      %and3A_275 = arith.constant 1 : i32
      %and3A_276 = vector.broadcast %and3A_275 : i32 to vector<16xi32>
      %and3A_277 = arith.andi %shift_right_arithmetic3A_274, %and3A_276 : vector<16xi32>
      %convert_element_type3A_278 = arith.sitofp %and3A_277 : vector<16xi32> to vector<16xf32>
      %gather3A_279 = tpu.vector_load_idx %arg5[%add3A_262] masked %and3A_240 : memref<2560xi32, #tpu.memory_space<vmem>>[vector<16xi32>], vector<16xi32>, vector<16xi1>
      %shift_right_arithmetic3A_280 = arith.shrsi %gather3A_279, %shift_left3A_273 : vector<16xi32>
      %and3A_281 = arith.constant 1 : i32
      %and3A_282 = vector.broadcast %and3A_281 : i32 to vector<16xi32>
      %and3A_283 = arith.andi %shift_right_arithmetic3A_280, %and3A_282 : vector<16xi32>
      %convert_element_type3A_284 = arith.sitofp %and3A_283 : vector<16xi32> to vector<16xf32>
      %add3A_285 = arith.constant 1 : i32
      %add3A_286 = vector.broadcast %add3A_285 : i32 to vector<16xi32>
      %add3A_287 = arith.addi %add3A_255, %add3A_286 : vector<16xi32>
      %gather3A_288 = tpu.vector_load_idx %arg5[%add3A_287] masked %and3A_240 : memref<2560xi32, #tpu.memory_space<vmem>>[vector<16xi32>], vector<16xi32>, vector<16xi1>
      %shift_right_arithmetic3A_289 = arith.shrsi %gather3A_288, %shift_left3A_267 : vector<16xi32>
      %and3A_290 = arith.constant 1 : i32
      %and3A_291 = vector.broadcast %and3A_290 : i32 to vector<16xi32>
      %and3A_292 = arith.andi %shift_right_arithmetic3A_289, %and3A_291 : vector<16xi32>
      %convert_element_type3A_293 = arith.sitofp %and3A_292 : vector<16xi32> to vector<16xf32>
      %add3A_294 = arith.constant 1 : i32
      %add3A_295 = vector.broadcast %add3A_294 : i32 to vector<16xi32>
      %add3A_296 = arith.addi %add3A_262, %add3A_295 : vector<16xi32>
      %gather3A_297 = tpu.vector_load_idx %arg5[%add3A_296] masked %and3A_240 : memref<2560xi32, #tpu.memory_space<vmem>>[vector<16xi32>], vector<16xi32>, vector<16xi1>
      %shift_right_arithmetic3A_298 = arith.shrsi %gather3A_297, %shift_left3A_273 : vector<16xi32>
      %and3A_299 = arith.constant 1 : i32
      %and3A_300 = vector.broadcast %and3A_299 : i32 to vector<16xi32>
      %and3A_301 = arith.andi %shift_right_arithmetic3A_298, %and3A_300 : vector<16xi32>
      %convert_element_type3A_302 = arith.sitofp %and3A_301 : vector<16xi32> to vector<16xf32>
      %sub3A_303 = arith.subf %convert_element_type3A_284, %convert_element_type3A_278 : vector<16xf32>
      %mul3A_304 = arith.mulf %sub3A_245, %sub3A_303 : vector<16xf32>
      %add3A_305 = arith.addf %convert_element_type3A_278, %mul3A_304 : vector<16xf32>
      %sub3A_306 = arith.subf %convert_element_type3A_302, %convert_element_type3A_293 : vector<16xf32>
      %mul3A_307 = arith.mulf %sub3A_245, %sub3A_306 : vector<16xf32>
      %add3A_308 = arith.addf %convert_element_type3A_293, %mul3A_307 : vector<16xf32>
      %sub3A_309 = arith.subf %add3A_308, %add3A_305 : vector<16xf32>
      %mul3A_310 = arith.mulf %sub3A_243, %sub3A_309 : vector<16xf32>
      %add3A_311 = arith.addf %add3A_305, %mul3A_310 : vector<16xf32>
      %jit3A_312 = arith.constant 0.000000e+00 : f32
      %broadcast_in_dim3A_313 = vector.broadcast %jit3A_312 : f32 to vector<16xf32>
      %select_n3A_314 = arith.select %and3A_240, %add3A_311, %broadcast_in_dim3A_313 : vector<16xi1>, vector<16xf32>
      %mul3A_315 = vector.broadcast %convert_element_type3A_228 : f32 to vector<16xf32>
      %mul3A_316 = arith.mulf %mul3A_315, %mul3A_160 : vector<16xf32>
      %add3A_317 = arith.addf %get3A_10, %mul3A_316 : vector<16xf32>
      %mul3A_318 = vector.broadcast %convert_element_type3A_228 : f32 to vector<16xf32>
      %mul3A_319 = arith.mulf %mul3A_318, %mul3A_161 : vector<16xf32>
      %add3A_320 = arith.addf %get3A_12, %mul3A_319 : vector<16xf32>
      %le3A_321 = arith.cmpf ole, %add3A_317, %add3A_56 : vector<16xf32>
      %ge3A_322 = arith.cmpf oge, %add3A_317, %sub3A_53 : vector<16xf32>
      %and3A_323 = arith.andi %le3A_321, %ge3A_322 : vector<16xi1>
      %le3A_324 = arith.cmpf ole, %add3A_320, %add3A_64 : vector<16xf32>
      %and3A_325 = arith.andi %and3A_323, %le3A_324 : vector<16xi1>
      %ge3A_326 = arith.cmpf oge, %add3A_320, %sub3A_60 : vector<16xf32>
      %and3A_327 = arith.andi %and3A_325, %ge3A_326 : vector<16xi1>
      %convert_element_type3A_328 = arith.fptosi %add3A_317 : vector<16xf32> to vector<16xi32>
      %ne3A_329 = arith.cmpi ne, %convert_element_type3A_328, %while3A_225 : vector<16xi32>
      %and3A_330 = arith.andi %and3A_327, %ne3A_329 : vector<16xi1>
      %convert_element_type3A_331 = arith.fptosi %add3A_320 : vector<16xf32> to vector<16xi32>
      %convert_element_type3A_332 = arith.sitofp %convert_element_type3A_328 : vector<16xi32> to vector<16xf32>
      %sub3A_333 = arith.subf %add3A_317, %convert_element_type3A_332 : vector<16xf32>
      %convert_element_type3A_334 = arith.sitofp %convert_element_type3A_331 : vector<16xi32> to vector<16xf32>
      %sub3A_335 = arith.subf %add3A_320, %convert_element_type3A_334 : vector<16xf32>
      %add3A_336 = arith.constant 1 : i32
      %add3A_337 = vector.broadcast %add3A_336 : i32 to vector<16xi32>
      %add3A_338 = arith.addi %convert_element_type3A_331, %add3A_337 : vector<16xi32>
      %shift_right_arithmetic3A_339 = arith.constant 2 : i32
      %shift_right_arithmetic3A_340 = vector.broadcast %shift_right_arithmetic3A_339 : i32 to vector<16xi32>
      %shift_right_arithmetic3A_341 = arith.shrsi %convert_element_type3A_331, %shift_right_arithmetic3A_340 : vector<16xi32>
      %mul3A_342 = arith.constant 100 : i32
      %mul3A_343 = vector.broadcast %mul3A_342 : i32 to vector<16xi32>
      %mul3A_344 = arith.muli %shift_right_arithmetic3A_341, %mul3A_343 : vector<16xi32>
      %add3A_345 = arith.addi %mul3A_344, %convert_element_type3A_328 : vector<16xi32>
      %shift_right_arithmetic3A_346 = arith.constant 2 : i32
      %shift_right_arithmetic3A_347 = vector.broadcast %shift_right_arithmetic3A_346 : i32 to vector<16xi32>
      %shift_right_arithmetic3A_348 = arith.shrsi %add3A_338, %shift_right_arithmetic3A_347 : vector<16xi32>
      %mul3A_349 = arith.constant 100 : i32
      %mul3A_350 = vector.broadcast %mul3A_349 : i32 to vector<16xi32>
      %mul3A_351 = arith.muli %shift_right_arithmetic3A_348, %mul3A_350 : vector<16xi32>
      %add3A_352 = arith.addi %mul3A_351, %convert_element_type3A_328 : vector<16xi32>
      %and3A_353 = arith.constant 3 : i32
      %and3A_354 = vector.broadcast %and3A_353 : i32 to vector<16xi32>
      %and3A_355 = arith.andi %convert_element_type3A_331, %and3A_354 : vector<16xi32>
      %shift_left3A_356 = arith.constant 3 : i32
      %shift_left3A_357 = vector.broadcast %shift_left3A_356 : i32 to vector<16xi32>
      %shift_left3A_358 = arith.shli %and3A_355, %shift_left3A_357 : vector<16xi32>
      %and3A_359 = arith.constant 3 : i32
      %and3A_360 = vector.broadcast %and3A_359 : i32 to vector<16xi32>
      %and3A_361 = arith.andi %add3A_338, %and3A_360 : vector<16xi32>
      %shift_left3A_362 = arith.constant 3 : i32
      %shift_left3A_363 = vector.broadcast %shift_left3A_362 : i32 to vector<16xi32>
      %shift_left3A_364 = arith.shli %and3A_361, %shift_left3A_363 : vector<16xi32>
      %gather3A_365 = tpu.vector_load_idx %arg5[%add3A_345] masked %and3A_330 : memref<2560xi32, #tpu.memory_space<vmem>>[vector<16xi32>], vector<16xi32>, vector<16xi1>
      %shift_right_arithmetic3A_366 = arith.shrsi %gather3A_365, %shift_left3A_358 : vector<16xi32>
      %and3A_367 = arith.constant 1 : i32
      %and3A_368 = vector.broadcast %and3A_367 : i32 to vector<16xi32>
      %and3A_369 = arith.andi %shift_right_arithmetic3A_366, %and3A_368 : vector<16xi32>
      %convert_element_type3A_370 = arith.sitofp %and3A_369 : vector<16xi32> to vector<16xf32>
      %gather3A_371 = tpu.vector_load_idx %arg5[%add3A_352] masked %and3A_330 : memref<2560xi32, #tpu.memory_space<vmem>>[vector<16xi32>], vector<16xi32>, vector<16xi1>
      %shift_right_arithmetic3A_372 = arith.shrsi %gather3A_371, %shift_left3A_364 : vector<16xi32>
      %and3A_373 = arith.constant 1 : i32
      %and3A_374 = vector.broadcast %and3A_373 : i32 to vector<16xi32>
      %and3A_375 = arith.andi %shift_right_arithmetic3A_372, %and3A_374 : vector<16xi32>
      %convert_element_type3A_376 = arith.sitofp %and3A_375 : vector<16xi32> to vector<16xf32>
      %add3A_377 = arith.constant 1 : i32
      %add3A_378 = vector.broadcast %add3A_377 : i32 to vector<16xi32>
      %add3A_379 = arith.addi %add3A_345, %add3A_378 : vector<16xi32>
      %gather3A_380 = tpu.vector_load_idx %arg5[%add3A_379] masked %and3A_330 : memref<2560xi32, #tpu.memory_space<vmem>>[vector<16xi32>], vector<16xi32>, vector<16xi1>
      %shift_right_arithmetic3A_381 = arith.shrsi %gather3A_380, %shift_left3A_358 : vector<16xi32>
      %and3A_382 = arith.constant 1 : i32
      %and3A_383 = vector.broadcast %and3A_382 : i32 to vector<16xi32>
      %and3A_384 = arith.andi %shift_right_arithmetic3A_381, %and3A_383 : vector<16xi32>
      %convert_element_type3A_385 = arith.sitofp %and3A_384 : vector<16xi32> to vector<16xf32>
      %add3A_386 = arith.constant 1 : i32
      %add3A_387 = vector.broadcast %add3A_386 : i32 to vector<16xi32>
      %add3A_388 = arith.addi %add3A_352, %add3A_387 : vector<16xi32>
      %gather3A_389 = tpu.vector_load_idx %arg5[%add3A_388] masked %and3A_330 : memref<2560xi32, #tpu.memory_space<vmem>>[vector<16xi32>], vector<16xi32>, vector<16xi1>
      %shift_right_arithmetic3A_390 = arith.shrsi %gather3A_389, %shift_left3A_364 : vector<16xi32>
      %and3A_391 = arith.constant 1 : i32
      %and3A_392 = vector.broadcast %and3A_391 : i32 to vector<16xi32>
      %and3A_393 = arith.andi %shift_right_arithmetic3A_390, %and3A_392 : vector<16xi32>
      %convert_element_type3A_394 = arith.sitofp %and3A_393 : vector<16xi32> to vector<16xf32>
      %sub3A_395 = arith.subf %convert_element_type3A_376, %convert_element_type3A_370 : vector<16xf32>
      %mul3A_396 = arith.mulf %sub3A_335, %sub3A_395 : vector<16xf32>
      %add3A_397 = arith.addf %convert_element_type3A_370, %mul3A_396 : vector<16xf32>
      %sub3A_398 = arith.subf %convert_element_type3A_394, %convert_element_type3A_385 : vector<16xf32>
      %mul3A_399 = arith.mulf %sub3A_335, %sub3A_398 : vector<16xf32>
      %add3A_400 = arith.addf %convert_element_type3A_385, %mul3A_399 : vector<16xf32>
      %sub3A_401 = arith.subf %add3A_400, %add3A_397 : vector<16xf32>
      %mul3A_402 = arith.mulf %sub3A_333, %sub3A_401 : vector<16xf32>
      %add3A_403 = arith.addf %add3A_397, %mul3A_402 : vector<16xf32>
      %jit3A_404 = arith.constant 0.000000e+00 : f32
      %broadcast_in_dim3A_405 = vector.broadcast %jit3A_404 : f32 to vector<16xf32>
      %select_n3A_406 = arith.select %and3A_330, %add3A_403, %broadcast_in_dim3A_405 : vector<16xi1>, vector<16xf32>
      %add3A_407 = arith.constant 1.000000e+00 : f32
      %add3A_408 = arith.addf %convert_element_type3A_228, %add3A_407 : f32
      %mul3A_409 = vector.broadcast %add3A_408 : f32 to vector<16xf32>
      %mul3A_410 = arith.mulf %mul3A_409, %mul3A_111 : vector<16xf32>
      %add3A_411 = arith.addf %get3A_6, %mul3A_410 : vector<16xf32>
      %mul3A_412 = vector.broadcast %add3A_408 : f32 to vector<16xf32>
      %mul3A_413 = arith.mulf %mul3A_412, %mul3A_112 : vector<16xf32>
      %add3A_414 = arith.addf %get3A_8, %mul3A_413 : vector<16xf32>
      %le3A_415 = arith.cmpf ole, %add3A_411, %add3A_56 : vector<16xf32>
      %ge3A_416 = arith.cmpf oge, %add3A_411, %sub3A_53 : vector<16xf32>
      %and3A_417 = arith.andi %le3A_415, %ge3A_416 : vector<16xi1>
      %le3A_418 = arith.cmpf ole, %add3A_414, %add3A_64 : vector<16xf32>
      %and3A_419 = arith.andi %and3A_417, %le3A_418 : vector<16xi1>
      %ge3A_420 = arith.cmpf oge, %add3A_414, %sub3A_60 : vector<16xf32>
      %and3A_421 = arith.andi %and3A_419, %ge3A_420 : vector<16xi1>
      %convert_element_type3A_422 = arith.fptosi %add3A_411 : vector<16xf32> to vector<16xi32>
      %ne3A_423 = arith.cmpi ne, %convert_element_type3A_422, %convert_element_type3A_239 : vector<16xi32>
      %and3A_424 = arith.andi %and3A_421, %ne3A_423 : vector<16xi1>
      %convert_element_type3A_425 = arith.fptosi %add3A_414 : vector<16xf32> to vector<16xi32>
      %convert_element_type3A_426 = arith.sitofp %convert_element_type3A_422 : vector<16xi32> to vector<16xf32>
      %sub3A_427 = arith.subf %add3A_411, %convert_element_type3A_426 : vector<16xf32>
      %convert_element_type3A_428 = arith.sitofp %convert_element_type3A_425 : vector<16xi32> to vector<16xf32>
      %sub3A_429 = arith.subf %add3A_414, %convert_element_type3A_428 : vector<16xf32>
      %add3A_430 = arith.constant 1 : i32
      %add3A_431 = vector.broadcast %add3A_430 : i32 to vector<16xi32>
      %add3A_432 = arith.addi %convert_element_type3A_425, %add3A_431 : vector<16xi32>
      %shift_right_arithmetic3A_433 = arith.constant 2 : i32
      %shift_right_arithmetic3A_434 = vector.broadcast %shift_right_arithmetic3A_433 : i32 to vector<16xi32>
      %shift_right_arithmetic3A_435 = arith.shrsi %convert_element_type3A_425, %shift_right_arithmetic3A_434 : vector<16xi32>
      %mul3A_436 = arith.constant 100 : i32
      %mul3A_437 = vector.broadcast %mul3A_436 : i32 to vector<16xi32>
      %mul3A_438 = arith.muli %shift_right_arithmetic3A_435, %mul3A_437 : vector<16xi32>
      %add3A_439 = arith.addi %mul3A_438, %convert_element_type3A_422 : vector<16xi32>
      %shift_right_arithmetic3A_440 = arith.constant 2 : i32
      %shift_right_arithmetic3A_441 = vector.broadcast %shift_right_arithmetic3A_440 : i32 to vector<16xi32>
      %shift_right_arithmetic3A_442 = arith.shrsi %add3A_432, %shift_right_arithmetic3A_441 : vector<16xi32>
      %mul3A_443 = arith.constant 100 : i32
      %mul3A_444 = vector.broadcast %mul3A_443 : i32 to vector<16xi32>
      %mul3A_445 = arith.muli %shift_right_arithmetic3A_442, %mul3A_444 : vector<16xi32>
      %add3A_446 = arith.addi %mul3A_445, %convert_element_type3A_422 : vector<16xi32>
      %and3A_447 = arith.constant 3 : i32
      %and3A_448 = vector.broadcast %and3A_447 : i32 to vector<16xi32>
      %and3A_449 = arith.andi %convert_element_type3A_425, %and3A_448 : vector<16xi32>
      %shift_left3A_450 = arith.constant 3 : i32
      %shift_left3A_451 = vector.broadcast %shift_left3A_450 : i32 to vector<16xi32>
      %shift_left3A_452 = arith.shli %and3A_449, %shift_left3A_451 : vector<16xi32>
      %and3A_453 = arith.constant 3 : i32
      %and3A_454 = vector.broadcast %and3A_453 : i32 to vector<16xi32>
      %and3A_455 = arith.andi %add3A_432, %and3A_454 : vector<16xi32>
      %shift_left3A_456 = arith.constant 3 : i32
      %shift_left3A_457 = vector.broadcast %shift_left3A_456 : i32 to vector<16xi32>
      %shift_left3A_458 = arith.shli %and3A_455, %shift_left3A_457 : vector<16xi32>
      %gather3A_459 = tpu.vector_load_idx %arg5[%add3A_439] masked %and3A_424 : memref<2560xi32, #tpu.memory_space<vmem>>[vector<16xi32>], vector<16xi32>, vector<16xi1>
      %shift_right_arithmetic3A_460 = arith.shrsi %gather3A_459, %shift_left3A_452 : vector<16xi32>
      %and3A_461 = arith.constant 1 : i32
      %and3A_462 = vector.broadcast %and3A_461 : i32 to vector<16xi32>
      %and3A_463 = arith.andi %shift_right_arithmetic3A_460, %and3A_462 : vector<16xi32>
      %convert_element_type3A_464 = arith.sitofp %and3A_463 : vector<16xi32> to vector<16xf32>
      %gather3A_465 = tpu.vector_load_idx %arg5[%add3A_446] masked %and3A_424 : memref<2560xi32, #tpu.memory_space<vmem>>[vector<16xi32>], vector<16xi32>, vector<16xi1>
      %shift_right_arithmetic3A_466 = arith.shrsi %gather3A_465, %shift_left3A_458 : vector<16xi32>
      %and3A_467 = arith.constant 1 : i32
      %and3A_468 = vector.broadcast %and3A_467 : i32 to vector<16xi32>
      %and3A_469 = arith.andi %shift_right_arithmetic3A_466, %and3A_468 : vector<16xi32>
      %convert_element_type3A_470 = arith.sitofp %and3A_469 : vector<16xi32> to vector<16xf32>
      %add3A_471 = arith.constant 1 : i32
      %add3A_472 = vector.broadcast %add3A_471 : i32 to vector<16xi32>
      %add3A_473 = arith.addi %add3A_439, %add3A_472 : vector<16xi32>
      %gather3A_474 = tpu.vector_load_idx %arg5[%add3A_473] masked %and3A_424 : memref<2560xi32, #tpu.memory_space<vmem>>[vector<16xi32>], vector<16xi32>, vector<16xi1>
      %shift_right_arithmetic3A_475 = arith.shrsi %gather3A_474, %shift_left3A_452 : vector<16xi32>
      %and3A_476 = arith.constant 1 : i32
      %and3A_477 = vector.broadcast %and3A_476 : i32 to vector<16xi32>
      %and3A_478 = arith.andi %shift_right_arithmetic3A_475, %and3A_477 : vector<16xi32>
      %convert_element_type3A_479 = arith.sitofp %and3A_478 : vector<16xi32> to vector<16xf32>
      %add3A_480 = arith.constant 1 : i32
      %add3A_481 = vector.broadcast %add3A_480 : i32 to vector<16xi32>
      %add3A_482 = arith.addi %add3A_446, %add3A_481 : vector<16xi32>
      %gather3A_483 = tpu.vector_load_idx %arg5[%add3A_482] masked %and3A_424 : memref<2560xi32, #tpu.memory_space<vmem>>[vector<16xi32>], vector<16xi32>, vector<16xi1>
      %shift_right_arithmetic3A_484 = arith.shrsi %gather3A_483, %shift_left3A_458 : vector<16xi32>
      %and3A_485 = arith.constant 1 : i32
      %and3A_486 = vector.broadcast %and3A_485 : i32 to vector<16xi32>
      %and3A_487 = arith.andi %shift_right_arithmetic3A_484, %and3A_486 : vector<16xi32>
      %convert_element_type3A_488 = arith.sitofp %and3A_487 : vector<16xi32> to vector<16xf32>
      %sub3A_489 = arith.subf %convert_element_type3A_470, %convert_element_type3A_464 : vector<16xf32>
      %mul3A_490 = arith.mulf %sub3A_429, %sub3A_489 : vector<16xf32>
      %add3A_491 = arith.addf %convert_element_type3A_464, %mul3A_490 : vector<16xf32>
      %sub3A_492 = arith.subf %convert_element_type3A_488, %convert_element_type3A_479 : vector<16xf32>
      %mul3A_493 = arith.mulf %sub3A_429, %sub3A_492 : vector<16xf32>
      %add3A_494 = arith.addf %convert_element_type3A_479, %mul3A_493 : vector<16xf32>
      %sub3A_495 = arith.subf %add3A_494, %add3A_491 : vector<16xf32>
      %mul3A_496 = arith.mulf %sub3A_427, %sub3A_495 : vector<16xf32>
      %add3A_497 = arith.addf %add3A_491, %mul3A_496 : vector<16xf32>
      %jit3A_498 = arith.constant 0.000000e+00 : f32
      %broadcast_in_dim3A_499 = vector.broadcast %jit3A_498 : f32 to vector<16xf32>
      %select_n3A_500 = arith.select %and3A_424, %add3A_497, %broadcast_in_dim3A_499 : vector<16xi1>, vector<16xf32>
      %add3A_501 = arith.constant 1.000000e+00 : f32
      %add3A_502 = arith.addf %convert_element_type3A_228, %add3A_501 : f32
      %mul3A_503 = vector.broadcast %add3A_502 : f32 to vector<16xf32>
      %mul3A_504 = arith.mulf %mul3A_503, %mul3A_160 : vector<16xf32>
      %add3A_505 = arith.addf %get3A_10, %mul3A_504 : vector<16xf32>
      %mul3A_506 = vector.broadcast %add3A_502 : f32 to vector<16xf32>
      %mul3A_507 = arith.mulf %mul3A_506, %mul3A_161 : vector<16xf32>
      %add3A_508 = arith.addf %get3A_12, %mul3A_507 : vector<16xf32>
      %le3A_509 = arith.cmpf ole, %add3A_505, %add3A_56 : vector<16xf32>
      %ge3A_510 = arith.cmpf oge, %add3A_505, %sub3A_53 : vector<16xf32>
      %and3A_511 = arith.andi %le3A_509, %ge3A_510 : vector<16xi1>
      %le3A_512 = arith.cmpf ole, %add3A_508, %add3A_64 : vector<16xf32>
      %and3A_513 = arith.andi %and3A_511, %le3A_512 : vector<16xi1>
      %ge3A_514 = arith.cmpf oge, %add3A_508, %sub3A_60 : vector<16xf32>
      %and3A_515 = arith.andi %and3A_513, %ge3A_514 : vector<16xi1>
      %convert_element_type3A_516 = arith.fptosi %add3A_505 : vector<16xf32> to vector<16xi32>
      %ne3A_517 = arith.cmpi ne, %convert_element_type3A_516, %convert_element_type3A_328 : vector<16xi32>
      %and3A_518 = arith.andi %and3A_515, %ne3A_517 : vector<16xi1>
      %convert_element_type3A_519 = arith.fptosi %add3A_508 : vector<16xf32> to vector<16xi32>
      %convert_element_type3A_520 = arith.sitofp %convert_element_type3A_516 : vector<16xi32> to vector<16xf32>
      %sub3A_521 = arith.subf %add3A_505, %convert_element_type3A_520 : vector<16xf32>
      %convert_element_type3A_522 = arith.sitofp %convert_element_type3A_519 : vector<16xi32> to vector<16xf32>
      %sub3A_523 = arith.subf %add3A_508, %convert_element_type3A_522 : vector<16xf32>
      %add3A_524 = arith.constant 1 : i32
      %add3A_525 = vector.broadcast %add3A_524 : i32 to vector<16xi32>
      %add3A_526 = arith.addi %convert_element_type3A_519, %add3A_525 : vector<16xi32>
      %shift_right_arithmetic3A_527 = arith.constant 2 : i32
      %shift_right_arithmetic3A_528 = vector.broadcast %shift_right_arithmetic3A_527 : i32 to vector<16xi32>
      %shift_right_arithmetic3A_529 = arith.shrsi %convert_element_type3A_519, %shift_right_arithmetic3A_528 : vector<16xi32>
      %mul3A_530 = arith.constant 100 : i32
      %mul3A_531 = vector.broadcast %mul3A_530 : i32 to vector<16xi32>
      %mul3A_532 = arith.muli %shift_right_arithmetic3A_529, %mul3A_531 : vector<16xi32>
      %add3A_533 = arith.addi %mul3A_532, %convert_element_type3A_516 : vector<16xi32>
      %shift_right_arithmetic3A_534 = arith.constant 2 : i32
      %shift_right_arithmetic3A_535 = vector.broadcast %shift_right_arithmetic3A_534 : i32 to vector<16xi32>
      %shift_right_arithmetic3A_536 = arith.shrsi %add3A_526, %shift_right_arithmetic3A_535 : vector<16xi32>
      %mul3A_537 = arith.constant 100 : i32
      %mul3A_538 = vector.broadcast %mul3A_537 : i32 to vector<16xi32>
      %mul3A_539 = arith.muli %shift_right_arithmetic3A_536, %mul3A_538 : vector<16xi32>
      %add3A_540 = arith.addi %mul3A_539, %convert_element_type3A_516 : vector<16xi32>
      %and3A_541 = arith.constant 3 : i32
      %and3A_542 = vector.broadcast %and3A_541 : i32 to vector<16xi32>
      %and3A_543 = arith.andi %convert_element_type3A_519, %and3A_542 : vector<16xi32>
      %shift_left3A_544 = arith.constant 3 : i32
      %shift_left3A_545 = vector.broadcast %shift_left3A_544 : i32 to vector<16xi32>
      %shift_left3A_546 = arith.shli %and3A_543, %shift_left3A_545 : vector<16xi32>
      %and3A_547 = arith.constant 3 : i32
      %and3A_548 = vector.broadcast %and3A_547 : i32 to vector<16xi32>
      %and3A_549 = arith.andi %add3A_526, %and3A_548 : vector<16xi32>
      %shift_left3A_550 = arith.constant 3 : i32
      %shift_left3A_551 = vector.broadcast %shift_left3A_550 : i32 to vector<16xi32>
      %shift_left3A_552 = arith.shli %and3A_549, %shift_left3A_551 : vector<16xi32>
      %gather3A_553 = tpu.vector_load_idx %arg5[%add3A_533] masked %and3A_518 : memref<2560xi32, #tpu.memory_space<vmem>>[vector<16xi32>], vector<16xi32>, vector<16xi1>
      %shift_right_arithmetic3A_554 = arith.shrsi %gather3A_553, %shift_left3A_546 : vector<16xi32>
      %and3A_555 = arith.constant 1 : i32
      %and3A_556 = vector.broadcast %and3A_555 : i32 to vector<16xi32>
      %and3A_557 = arith.andi %shift_right_arithmetic3A_554, %and3A_556 : vector<16xi32>
      %convert_element_type3A_558 = arith.sitofp %and3A_557 : vector<16xi32> to vector<16xf32>
      %gather3A_559 = tpu.vector_load_idx %arg5[%add3A_540] masked %and3A_518 : memref<2560xi32, #tpu.memory_space<vmem>>[vector<16xi32>], vector<16xi32>, vector<16xi1>
      %shift_right_arithmetic3A_560 = arith.shrsi %gather3A_559, %shift_left3A_552 : vector<16xi32>
      %and3A_561 = arith.constant 1 : i32
      %and3A_562 = vector.broadcast %and3A_561 : i32 to vector<16xi32>
      %and3A_563 = arith.andi %shift_right_arithmetic3A_560, %and3A_562 : vector<16xi32>
      %convert_element_type3A_564 = arith.sitofp %and3A_563 : vector<16xi32> to vector<16xf32>
      %add3A_565 = arith.constant 1 : i32
      %add3A_566 = vector.broadcast %add3A_565 : i32 to vector<16xi32>
      %add3A_567 = arith.addi %add3A_533, %add3A_566 : vector<16xi32>
      %gather3A_568 = tpu.vector_load_idx %arg5[%add3A_567] masked %and3A_518 : memref<2560xi32, #tpu.memory_space<vmem>>[vector<16xi32>], vector<16xi32>, vector<16xi1>
      %shift_right_arithmetic3A_569 = arith.shrsi %gather3A_568, %shift_left3A_546 : vector<16xi32>
      %and3A_570 = arith.constant 1 : i32
      %and3A_571 = vector.broadcast %and3A_570 : i32 to vector<16xi32>
      %and3A_572 = arith.andi %shift_right_arithmetic3A_569, %and3A_571 : vector<16xi32>
      %convert_element_type3A_573 = arith.sitofp %and3A_572 : vector<16xi32> to vector<16xf32>
      %add3A_574 = arith.constant 1 : i32
      %add3A_575 = vector.broadcast %add3A_574 : i32 to vector<16xi32>
      %add3A_576 = arith.addi %add3A_540, %add3A_575 : vector<16xi32>
      %gather3A_577 = tpu.vector_load_idx %arg5[%add3A_576] masked %and3A_518 : memref<2560xi32, #tpu.memory_space<vmem>>[vector<16xi32>], vector<16xi32>, vector<16xi1>
      %shift_right_arithmetic3A_578 = arith.shrsi %gather3A_577, %shift_left3A_552 : vector<16xi32>
      %and3A_579 = arith.constant 1 : i32
      %and3A_580 = vector.broadcast %and3A_579 : i32 to vector<16xi32>
      %and3A_581 = arith.andi %shift_right_arithmetic3A_578, %and3A_580 : vector<16xi32>
      %convert_element_type3A_582 = arith.sitofp %and3A_581 : vector<16xi32> to vector<16xf32>
      %sub3A_583 = arith.subf %convert_element_type3A_564, %convert_element_type3A_558 : vector<16xf32>
      %mul3A_584 = arith.mulf %sub3A_523, %sub3A_583 : vector<16xf32>
      %add3A_585 = arith.addf %convert_element_type3A_558, %mul3A_584 : vector<16xf32>
      %sub3A_586 = arith.subf %convert_element_type3A_582, %convert_element_type3A_573 : vector<16xf32>
      %mul3A_587 = arith.mulf %sub3A_523, %sub3A_586 : vector<16xf32>
      %add3A_588 = arith.addf %convert_element_type3A_573, %mul3A_587 : vector<16xf32>
      %sub3A_589 = arith.subf %add3A_588, %add3A_585 : vector<16xf32>
      %mul3A_590 = arith.mulf %sub3A_521, %sub3A_589 : vector<16xf32>
      %add3A_591 = arith.addf %add3A_585, %mul3A_590 : vector<16xf32>
      %jit3A_592 = arith.constant 0.000000e+00 : f32
      %broadcast_in_dim3A_593 = vector.broadcast %jit3A_592 : f32 to vector<16xf32>
      %select_n3A_594 = arith.select %and3A_518, %add3A_591, %broadcast_in_dim3A_593 : vector<16xi1>, vector<16xf32>
      %add3A_595 = arith.addf %select_n3A_314, %select_n3A_500 : vector<16xf32>
      %add3A_596 = arith.addf %while3A_222, %add3A_595 : vector<16xf32>
      %add3A_597 = arith.addf %select_n3A_406, %select_n3A_594 : vector<16xf32>
      %add3A_598 = arith.addf %while3A_223, %add3A_597 : vector<16xf32>
      scf.yield %add3A_596, %add3A_598, %convert_element_type3A_422, %convert_element_type3A_516 : vector<16xf32>, vector<16xf32>, vector<16xi32>, vector<16xi32>
    }
    %add3A_202 = arith.addf %while3A_201#0, %while3A_201#1 : vector<16xf32>
    %mul3A_203 = arith.mulf %select_n3A, %add3A_202 : vector<16xf32>
    %mul3A_204 = arith.constant 5.000000e-01 : f32
    %mul3A_205 = vector.broadcast %mul3A_204 : f32 to vector<16xf32>
    %mul3A_206 = arith.mulf %mul3A_203, %mul3A_205 : vector<16xf32>
    %reduce_sum3A_207 = arith.constant true
    %reduce_sum3A_208 = vector.broadcast %reduce_sum3A_207 : i1 to vector<16xi1>
    %reduce_sum3A_209 = tpu.scan <sum>, %mul3A_206 masked %reduce_sum3A_208 : vector<16xf32>, vector<16xi1> -> vector<16xf32>
    %reduce_sum3A_210 = vector.extract %reduce_sum3A_209[15] : f32 from vector<16xf32>
    %abs3A_211 = math.absf %reduce_sum3A_210 : f32
    %add3A_212 = arith.addf %abs3A, %abs3A_50 : f32
    %sub3A_213 = arith.subf %add3A_212, %abs3A_211 : f32
    %broadcast_in_dim3A_214 = arith.constant 0.000000e+00 : f32
    %broadcast_in_dim3A_215 = vector.broadcast %broadcast_in_dim3A_214 : f32 to vector<16xf32>
    %add3A_216 = vector.broadcast %abs3A_211 : f32 to vector<16xf32>
    %add3A_217 = arith.addf %broadcast_in_dim3A_215, %add3A_216 : vector<16xf32>
    %add3A_218 = vector.broadcast %sub3A_213 : f32 to vector<16xf32>
    %add3A_219 = arith.addf %broadcast_in_dim3A_215, %add3A_218 : vector<16xf32>
    %div3A = arith.divf %add3A_217, %add3A_219 : vector<16xf32>
    %swap3A = arith.constant 0 : index
    %swap3A_220 = tpu.vector_load %arg7[%swap3A] {strides = array<i32>} : memref<16xf32, #tpu.memory_space<vmem>>, vector<16xf32>,
    tpu.vector_store %arg7[%swap3A], %div3A {strides = array<i32>} : memref<16xf32, #tpu.memory_space<vmem>>, vector<16xf32>,
    "tpu.region"() ({
      %run_scoped3A = tpu.sem_alloc : memref<!tpu.dma_semaphore, #tpu.memory_space<semaphore_mem>>
      %dma_start3A_221 = arith.constant 0 : i32
      %dma_start3A_222 = tpu.memref_slice %arg4[%add3A, %dma_start3A_221] : memref<32x16xf32, #tpu.memory_space<hbm>> -> memref<1x16xf32, #tpu.memory_space<hbm>>
      %dma_start3A_223 = tpu.memref_squeeze %dma_start3A_222 : memref<1x16xf32, #tpu.memory_space<hbm>> -> memref<16xf32, #tpu.memory_space<hbm>>
      %dma_start3A_224 = arith.constant 0 : i32
      %dma_start3A_225 = tpu.memref_slice %arg4[%add3A, %dma_start3A_224] : memref<32x16xf32, #tpu.memory_space<hbm>> -> memref<1x16xf32, #tpu.memory_space<hbm>>
      %dma_start3A_226 = tpu.memref_squeeze %dma_start3A_225 : memref<1x16xf32, #tpu.memory_space<hbm>> -> memref<16xf32, #tpu.memory_space<hbm>>
      tpu.enqueue_dma source(%arg7 : memref<16xf32, #tpu.memory_space<vmem>>) target(%dma_start3A_226 : memref<16xf32, #tpu.memory_space<hbm>>) target_semaphore(%run_scoped3A : memref<!tpu.dma_semaphore, #tpu.memory_space<semaphore_mem>>)
      %dma_wait3A_227 = arith.constant 0 : i32
      %dma_wait3A_228 = tpu.memref_slice %arg4[%add3A, %dma_wait3A_227] : memref<32x16xf32, #tpu.memory_space<hbm>> -> memref<1x16xf32, #tpu.memory_space<hbm>>
      %dma_wait3A_229 = tpu.memref_squeeze %dma_wait3A_228 : memref<1x16xf32, #tpu.memory_space<hbm>> -> memref<16xf32, #tpu.memory_space<hbm>>
      %dma_wait3A_230 = arith.constant 0 : i32
      %dma_wait3A_231 = tpu.memref_slice %arg4[%add3A, %dma_wait3A_230] : memref<32x16xf32, #tpu.memory_space<hbm>> -> memref<1x16xf32, #tpu.memory_space<hbm>>
      %dma_wait3A_232 = tpu.memref_squeeze %dma_wait3A_231 : memref<1x16xf32, #tpu.memory_space<hbm>> -> memref<16xf32, #tpu.memory_space<hbm>>
      tpu.wait_dma2 semaphore(%run_scoped3A : memref<!tpu.dma_semaphore, #tpu.memory_space<semaphore_mem>>) src(%arg7 : memref<16xf32, #tpu.memory_space<vmem>>) dst(%dma_wait3A_232 : memref<16xf32, #tpu.memory_space<hbm>>)
      tpu.yield
    }) : () -> ()
    return
  }
}

</mosaic_0001>

<sc_bundles>
// kernel: kernel.3.cloned.1.call-start
scs
__scs_entry_jumppad:
0x0: {  	(pc) =	sbr.rel $0x88, $3  }
0x1: {  	(tag) =	ssettag $0x0;
	lr =	simm.s32 $0x1  }
0x2: {  	[smem:$0x3F9E] =	sst lr;
	_ =	strace $0xD0000000  }
0x3: {  	_ = 	snop  }
0x4: {  	_ = 	snop  }
0x5: {  	_ = 	snop  }
0x6: {  	_ = 	snop  }
0x7: {  	_ = 	snop  }
__scs_overlays_trampoline_lowered:
0x8: {  	[smem:$0x3FAD] =	sst s0  }
0x9: {  	[smem:$0x3FAE] =	sst s1  }
0xa: {  	[smem:$0x3FAF] =	sst s2  }
0xb: {  	[smem:$0x3FB0] =	sst s3  }
0xc: {  	[smem:$0x3FB1] =	sst s4  }
0xd: {  	[smem:$0x3FB2] =	sst s5  }
0xe: {  	[smem:$0x3FB3] =	sst s6  }
0xf: {  	[smem:$0x3FB4] =	sst s7  }
0x10: {  	[smem:$0x3FB5] =	sst s8  }
0x11: {  	[smem:$0x3FB6] =	sst s9;
	s0 =	simm.s32 @!p0 $0x0  }
0x12: {  	s1 =	sld [smem:$0x3F9C];
	s0 =	simm.s32 @p0 $0x1  }
0x13: {  	[smem:$0x3FB7] =	sst s0;
	s0 =	simm.s32 @!p1 $0x0  }
0x14: {  	s2 =	sld [smem:$0x3F9B];
	s0 =	simm.s32 @p1 $0x1  }
0x15: {  	[smem:$0x3FB8] =	sst s0;
	s0 =	simm.s32 @!p2 $0x0  }
0x16: {  	s3 =	sld [smem:$0x3FDB];
	s0 =	simm.s32 @p2 $0x1  }
0x17: {  	s4 =	simm.s32 $0x1BF5;
	[smem:$0x3FBA] =	sst s0  }
0x18: {  	s0 =	sld [smem:$0x3F9D];
	_ =	swait.ge [sflag:s4], $0x0  }
0x19: {  	s7 =	sld [smem:$0x3F9E]  }
0x1a: {  	s8 =	sadd.s32 $0xFFFFE003, lr  }
0x1b: {  	s9 =	sadd.s32 $0xFFFFFEF7, lr;
	s5 =	simm.s32 $0xFFFFFFFF;
	p2 =	slt.u32 s8, $0xFFFFF086  }
0x1c: {  	p1 =	slt.u32 s9, $0xF7A;
	s5 =	simm.s32 @!p2 $0x0  }
0x1d: {  	s5 =	simm.s32 @p1 $0x1;
	p0 =	seq.s32 s7, s2  }
0x1e: {  	s7 =	smul.u32 @!p0 $0xF7A, s2;
	p2 =	seq.s32 @!p0 s5, $0x0  }
0x1f: {  	s9 =	smul.u32 $0xF7A, s1;
	s8 =	simm.s32 @!p0 $0x1BF5;
	p2 =	por !p2, p0  }
0x20: {  	[sflag:s8] =	ssyncset.s32 @!p0 $0xFFFFF086;
	s6 =	sadd.s32 @!p0 s3, s7;
	s7 =	simm.s32 @!p0 $0x108  }
0x21: {  	s3 =	sadd.s32 s3, s9;
	s6 =	sadd.s32 @!p0 $0x88, s6;
	s7 =	simm.s32 @p2 $0x1082  }
0x22: {  	[simem:s7], [sflag:s8] =	dma.local @!p0 [hbm:s6], $0xF7A  }
0x23: {  	s9 =	sor.u32 $0xD0000000, s2;
	s6 =	simm.s32 $0x108;
	_ =	swait.ge @!p0 [sflag:s8], $0x0  }
0x24: {  	s3 =	sadd.s32 $0x88, s3;
	s6 =	simm.s32 @!p1 $0x1082;
	[sflag:s4] =	ssyncset.s32 $0xFFFFF086  }
0x25: {  	[simem:s6], [sflag:s4] =	dma.local [hbm:s3], $0xF7A  }
0x26: {  	[smem:$0x3F9E] =	sst s1;
	(tag) =	ssettag s2;
	_ =	strace s9  }
0x27: {  	s1 =	sld [smem:$0x3FAE]  }
0x28: {  	s2 =	sld [smem:$0x3FAF]  }
0x29: {  	s4 =	sld [smem:$0x3FB1]  }
0x2a: {  	p0 =	seq.s32 s5, $0x0;
	s5 =	sld [smem:$0x3FB2]  }
0x2b: {  	s6 =	sld [smem:$0x3FB3]  }
0x2c: {  	s7 =	sld [smem:$0x3FB4]  }
0x2d: {  	s3 =	simm.s32 $0x108;
	s8 =	sld [smem:$0x3FB5]  }
0x2e: {  	s3 =	simm.s32 @!p0 $0x1082;
	s9 =	sld [smem:$0x3FB6]  }
0x2f: {  	lr =	sadd.s32 s0, s3;
	s0 =	sld [smem:$0x3FAD]  }
0x30: {  	s3 =	sld [smem:$0x3FB0]  }
0x31: {  	[smem:$0x3FB9] =	sst s10  }
0x32: {  	s10 =	sld [smem:$0x3FB7];
	_ =	sdelay $0x3  }
0x33: {  	p0 =	seq.s32 s10, $0x1;
	s10 =	sld [smem:$0x3FB9];
	_ =	sdelay $0x3  }
0x34: {  	[smem:$0x3FB9] =	sst s10  }
0x35: {  	s10 =	sld [smem:$0x3FB8];
	_ =	sdelay $0x3  }
0x36: {  	p1 =	seq.s32 s10, $0x1;
	s10 =	sld [smem:$0x3FB9];
	_ =	sdelay $0x3  }
0x37: {  	[smem:$0x3FB9] =	sst s10  }
0x38: {  	s10 =	sld [smem:$0x3FBA]  }
0x39: {  	_ = 	snop;
	(pc) =	sbr.ind lr, $3  }
0x3a: {  	_ = 	snop  }
0x3b: {  	_ = 	snop  }
0x3c: {  	p2 =	seq.s32 s10, $0x1;
	s10 =	sld [smem:$0x3FB9]  }
0x3d: {  	_ =	shalt  }
0x3e: {  	_ =	shalt  }
0x3f: {  	_ =	shalt  }
0x40: {  	_ =	shalt  }
0x41: {  	_ =	shalt  }
0x42: {  	_ =	shalt  }
0x43: {  	_ =	shalt  }
0x44: {  	_ =	shalt  }
0x45: {  	_ =	shalt  }
0x46: {  	_ =	shalt  }
0x47: {  	_ =	shalt  }
0x48: {  	_ =	shalt  }
0x49: {  	_ =	shalt  }
0x4a: {  	_ =	shalt  }
0x4b: {  	_ =	shalt  }
0x4c: {  	_ =	shalt  }
0x4d: {  	_ =	shalt  }
0x4e: {  	_ =	shalt  }
0x4f: {  	_ =	shalt  }
0x50: {  	_ =	shalt  }
0x51: {  	_ =	shalt  }
0x52: {  	_ =	shalt  }
0x53: {  	_ =	shalt  }
0x54: {  	_ =	shalt  }
0x55: {  	_ =	shalt  }
0x56: {  	_ =	shalt  }
0x57: {  	_ =	shalt  }
0x58: {  	_ =	shalt  }
0x59: {  	_ =	shalt  }
0x5a: {  	_ =	shalt  }
0x5b: {  	_ =	shalt  }
0x5c: {  	_ =	shalt  }
0x5d: {  	_ =	shalt  }
0x5e: {  	_ =	shalt  }
0x5f: {  	_ =	shalt  }
0x60: {  	_ =	shalt  }
0x61: {  	_ =	shalt  }
0x62: {  	_ =	shalt  }
0x63: {  	_ =	shalt  }
0x64: {  	_ =	shalt  }
0x65: {  	_ =	shalt  }
0x66: {  	_ =	shalt  }
0x67: {  	_ =	shalt  }
0x68: {  	_ =	shalt  }
0x69: {  	_ =	shalt  }
0x6a: {  	_ =	shalt  }
0x6b: {  	_ =	shalt  }
0x6c: {  	_ =	shalt  }
0x6d: {  	_ =	shalt  }
0x6e: {  	_ =	shalt  }
0x6f: {  	_ =	shalt  }
0x70: {  	_ =	shalt  }
0x71: {  	_ =	shalt  }
0x72: {  	_ =	shalt  }
0x73: {  	_ =	shalt  }
0x74: {  	_ =	shalt  }
0x75: {  	_ =	shalt  }
0x76: {  	_ =	shalt  }
0x77: {  	_ =	shalt  }
0x78: {  	_ =	shalt  }
0x79: {  	_ =	shalt  }
0x7a: {  	_ =	shalt  }
0x7b: {  	_ =	shalt  }
0x7c: {  	_ =	shalt  }
0x7d: {  	_ =	shalt  }
0x7e: {  	_ =	shalt  }
0x7f: {  	_ =	shalt  }
0x80: {  	_ =	shalt  }
0x81: {  	_ =	shalt  }
0x82: {  	_ =	shalt  }
0x83: {  	_ =	shalt  }
0x84: {  	_ =	shalt  }
0x85: {  	_ =	shalt  }
0x86: {  	_ =	shalt  }
0x87: {  	_ =	shalt  }
.Lfunc_end0:
.L_simem_size_0:
called_computation_lowered:
.L_overlay_start_0:
0x88: {  	s2 =	sld [smem:$0x3FD9]  }
0x89: {  	s3 =	sld [smem:$0x3FFE];
	_ =	sdelay $0x1  }
0x8a: {  	s1 =	srdreg.scid  }
0x8b: {  	s0 =	sand.u32 $0x1, s1  }
0x8c: {  	s16 =	sshll.u32 s0, $0xA;
	s2 =	sadd.s32 s3, s2  }
0x8d: {  	s2 =	sadd.s32 s2, s16  }
0x8e: {  	[smem:$0x3FC5] =	sst s2  }
0x8f: {  	_ = 	snop  }
0x90: {  	(tm) =	ssettm $0x1  }
0x91: {  	s17 =	sld [smem:$0x3FFB];
	_ =	sdelay $0x3  }
0x92: {  	_ =	strace s17  }
0x93: {  	s2 =	sld [smem:$0x3FFC];
	_ =	sdelay $0x3  }
0x94: {  	_ =	strace s2  }
0x95: {  	s2 =	sld [smem:$0x3FFD];
	_ =	sdelay $0x3  }
0x96: {  	_ =	strace s2  }
0x97: {  	_ =	strace $0x8FFFFFFF  }
0x98: {  	s18 =	sld [smem:$0x3FDB];
	_ =	sdelay $0x1  }
0x99: {  	s19 =	simm.s32 $_scs_section_size  }
0x9a: {  	s4 =	simm.s32 $_size__tile_overlayer_lowered;
	s5 =	simm.s32 $_tile_overlayer_lowered  }
0x9b: {  	s22 =	simm.s32 $0x1BFF;
	s21 =	sshll.u32 s5, $0x1;
	s2 =	sadd.s32 s19, s18  }
0x9c: {  	s6 =	simm.s32 $0x0;
	s20 =	sshll.u32 s4, $0x1;
	s4 =	sadd.s32 s21, s2  }
0x9d: {  	[timem:s6], [sflag:s22] =	dma.local [hbm:s4], s20  }
0x9e: {  	_ =	swait.ge [sflag:s22], s20  }
0x9f: {  	s3 =	ssub.s32 $0x0, s20;
	[sflag:s22] =	ssyncset.done $0x0  }
0xa0: {  	[sflag:s22] =	ssyncadd.s32 s3;
	_ =	sdelay $0x1  }
0xa1: {  	s23 =	simm.s32 $0x1B8B  }
0xa2: {  	_ =	swait.ge [sflag:s23], $0x1  }
0xa3: {  	[sflag:s23] =	ssyncset.done $0x0  }
0xa4: {  	s25 =	simm.s32 $0x1B8E;
	s24 =	sld [smem:$0x3FFE];
	[sflag:s23] =	ssyncadd.s32 $0xFFFFFFFF  }
0xa5: {  	s26 =	simm.s32 $execute0_lowered;
	[smem:$0x3FD2] =	sst s25  }
0xa6: {  	s4 =	sshll.u32 s26, $0x1;
	_ =	strace $0x80000046;
	[dreg:$0x1] =	wrdreg $0xFFFFFFFF  }
0xa7: {  	s28 =	simm.s32 $_size_execute0_lowered;
	s2 =	sadd.s32 s2, s4;
	[dreg:$0x0] =	wrdreg $0x0  }
0xa8: {  	s4 =	sshll.u32 s28, $0x1;
	[dreg:$0x2] =	wrdreg s2  }
0xa9: {  	[dreg:$0x3] =	wrdreg s4  }
0xaa: {  	[dreg:$0x4] =	wrdreg $0xC0  }
0xab: {  	_ =	task [dreg:s6], $0x5FFFF  }
0xac: {  	[dreg:$0x1] =	wrdreg $0xFFFFFFFF  }
0xad: {  	[dreg:$0x0] =	wrdreg $0x60  }
0xae: {  	[dreg:$0x2] =	wrdreg s24  }
0xaf: {  	[dreg:$0x3] =	wrdreg $0x9  }
0xb0: {  	_ =	task.clear_ibuf [dreg:s6], $0x4FFFF;
	_ =	strace $0x90000046  }
0xb1: {  	s29 =	simm.s32 $0x9;
	_ =	strace $0x80000048  }
0xb2: {  	_ =	swait.ge [sflag:s29], $0x1  }
0xb3: {  	[sflag:s29] =	ssyncadd.s32 $0xFFFFFFFF  }
0xb4: {  	_ =	strace $0x90000048  }
0xb5: {  	_ =	sfence  }
0xb6: {  	s30 =	sld [smem:$0x0];
	_ =	sdelay $0x2  }
0xb7: {  	s31 =	sshll.u32 s1, $0xD;
	s1 =	sshrl.u32 s1, $0x2  }
0xb8: {  	s3 =	sand.u32 $0x4000, s31;
	s1 =	sadd.s32 s1, s30  }
0xb9: {  	s0 =	sor.u32 s3, s0;
	s1 =	sshll.u32 s1, $0x11  }
0xba: {  	s0 =	sor.u32 s1, s0  }
0xbb: {  	s0 =	sadd.s32 $0x8F2B, s0  }
0xbc: {  	[sflag:s0] =	ssyncadd.remote.s32 $0x1  }
0xbd: {  	_ =	sfence.sel $0xFFFF  }
0xbe: {  	[dreg:$0x0] =	wrdreg $0xFFFFFFFF;
	(pc) =	sbr.abs _section_cstart, $3  }
0xbf: {  	[dreg:$0x1] =	wrdreg $0xFFFFFFFF  }
0xc0: {  	_ =	task.clear_ibuf [dreg:s6], $0x2FFFF;
	_ =	strace $0x9FFFFFFF  }
0xc1: {  	(tm) =	ssettm $0x7FFFFFFF  }
tec
execute0_lowered:
.L_overlay_start_1:
0x0: {  	(tag) =	ssettag $0x1  }
0x1: {  	s3 =	rddreg [dreg:$0x0]  }
0x2: {  	s0 =	rddreg [dreg:$0x1]  }
0x3: {  	s2 =	simm.s32 $0x0;
	s4 =	srdreg.scid;
	s1 =	stileid.u32  }
0x4: {  	s9 =	simm.s32 $0x1;
	s4 =	sand.u32 $0x1, s4;
	s5 =	sshll.u32 s1, $0x1  }
0x5: {  	s10 =	simm.s32 $0xA80;
	[smem:$0x7FF] =	sst s2;
	s5 =	sor.u32 s4, s5  }
0x6: {  	s11 =	simm.s32 $0x0;
	_ =	strace $0x80000047;
	s7 =	smul.u32 $0x140, s5  }
.Ltmp0:
0x7: {  	s4 =	ssub.s32 $0x2, s4;
	s6 =	sshll.u32 s5, $0x4;
	(pc) =	sbr.rel .LBB2_1-.Ltmp0, $4  }
0x8: {  	s5 =	sshll.u32 s5, $0x1;
	s8 =	sshrl.u32 s4, $0x1;
	s6 =	sadd.s32 s6, s3  }
0x9: {  	s5 =	sadd.s32 s5, s3;
	s8 =	ssub.s32 s4, s8;
	s7 =	sadd.s32 s7, s3  }
0xa: {  	s4 =	sadd.s32 $0x2C00, s6;
	s5 =	sadd.s32 $0x2E00, s5;
	s6 =	smax.u32 s8, $0x1  }
0xb: {  	s8 =	simm.s32 $0x2;
	s3 =	sadd.s32 $0x400, s7;
	s7 =	simm.s32 $0xA00  }
.LBB2_3:
0xc: {  	v9 =	vimm.f32 $0.0e+00;
	v20 =	vimm.s32 $0xFFF00000;
	v33 =	vimm.f32 $0.0e+00  }
.LBB2_12:
0xd: {  	vm9 =	vmand vm6, vm9;
	v12 =	vtrunc.f32 v38;
	v13 =	vadd.f32 v41, v8  }
0xe: {  	vm6 =	vmmov @p1 vm3;
	vm3 =	vmmov @p0 vm5;
	v34 =	vcvt.f32.s32 v42  }
0xf: {  	vm14 =	vle.f32 v31, v6;
	v61 =	vtrunc.f32 v31;
	v48 =	vtrunc.f32 v15  }
0x10: {  	vm15 =	vge.f32 v31, v4;
	v11 =	vmul.f32 s14, v11;
	v49 =	vmul.f32 s14, v10  }
0x11: {  	vm13 =	vmand vm9, vm8;
	v12 =	vcvt.f32.s32 v12;
	v43 =	vcvt.f32.s32 v61  }
0x12: {  	v48 =	vcvt.f32.s32 v48;
	vm10 =	vge.f32 v13, v5;
	vm11 =	vle.f32 v13, v7  }
0x13: {  	v40 =	vtrunc.f32 v13;
	vm5 =	vmand vm7, vm13;
	vm13 =	vne.s32 v37, v34  }
0x14: {  	v10 =	vadd.f32 v11, v3;
	v3 =	vadd.f32 v49, v0;
	v62 =	vshrl.u32 v12, $0x2  }
0x15: {  	vm12 =	vmand vm14, vm11;
	v63 =	vadd.s32 $0x1, v12;
	v40 =	vcvt.f32.s32 v40  }
0x16: {  	vm5 =	vmand vm13, vm5;
	v54 =	vmul.u32 $0x64, v62;
	v55 =	vshrl.u32 v63, $0x2  }
0x17: {  	vm14 =	vne.s32 v43, v34;
	vm7 =	vmand vm12, vm15;
	v56 =	vmul.u32 $0x64, v55  }
0x18: {  	v51 =	vcvt.s32.f32 v12;
	vm7 =	vmand vm10, vm7;
	v8 =	vadd.s32 v34, v54  }
0x19: {  	v57 =	vshrl.u32 v40, $0x2;
	v44 =	vadd.s32 $0x1, v40;
	v37 =	vadd.s32 v34, v56  }
0x1a: {  	v41 =	vmul.u32 $0x64, v57;
	v46 =	vshrl.u32 v44, $0x2;
	v45 =	vadd.s32 $0x1, v8  }
0x1b: {  	vm7 =	vmand vm14, vm7;
	v46 =	vmul.u32 $0x64, v46;
	v47 =	vadd.s32 $0x1, v37  }
0x1c: {  	v12 =	vshll.u32 v12, $0x3;
	vm11 =	vle.f32 v15, v7;
	v41 =	vadd.s32 v43, v41  }
0x1d: {  	v52 =	vtrunc.f32 v10;
	v12 =	vand.u32 $0x18, v12;
	v46 =	vadd.s32 v43, v46;
	v50 =	vld.idx.msk [tilespmem:v8+s2+$0x0], vm5  }
0x1e: {  	v42 =	vshll.u32 v63, $0x3;
	vm8 =	vle.f32 v3, v6;
	v59 =	vadd.s32 $0x1, v41;
	v58 =	vld.idx.msk [tilespmem:v37+s2+$0x0], vm5  }
0x1f: {  	vm9 =	vle.f32 v10, v7;
	vm12 =	vge.f32 v3, v4;
	v60 =	vadd.s32 $0x1, v46;
	v45 =	vld.idx.msk [tilespmem:v45+s2+$0x0], vm5  }
0x20: {  	vm13 =	vge.f32 v10, v5;
	v52 =	vcvt.f32.s32 v52;
	v61 =	vsub.f32 v38, v51;
	v47 =	vld.idx.msk [tilespmem:v47+s2+$0x0], vm5  }
0x21: {  	v62 =	vcvt.s32.f32 v40;
	v40 =	vshll.u32 v40, $0x3;
	v44 =	vshll.u32 v44, $0x3;
	v41 =	vld.idx.msk [tilespmem:v41+s2+$0x0], vm7  }
0x22: {  	v42 =	vand.u32 $0x18, v42;
	v40 =	vand.u32 $0x18, v40;
	v44 =	vand.u32 $0x18, v44;
	v46 =	vld.idx.msk [tilespmem:v46+s2+$0x0], vm7  }
0x23: {  	v13 =	vsub.f32 v13, v62;
	v34 =	vcvt.s32.f32 v34;
	v37 =	vld.idx.msk [tilespmem:v59+s2+$0x0], vm7;
	v50 =	vshrl.u32 v50, v12  }
0x24: {  	v63 =	vld.idx.msk [tilespmem:v60+s2+$0x0], vm7;
	v11 =	vshrl.u32 v58, v42;
	v12 =	vshrl.u32 v45, v12;
	v54 =	vand.u32 $0x1, v50  }
0x25: {  	v11 =	vand.u32 $0x1, v11;
	v12 =	vand.u32 $0x1, v12;
	v42 =	vshrl.u32 v47, v42  }
0x26: {  	v55 =	vcvt.s32.f32 v54;
	v41 =	vshrl.u32 v41, v40;
	v11 =	vcvt.s32.f32 v11  }
0x27: {  	v12 =	vcvt.s32.f32 v12;
	v42 =	vand.u32 $0x1, v42;
	v41 =	vand.u32 $0x1, v41  }
0x28: {  	v46 =	vshrl.u32 v46, v44;
	v37 =	vshrl.u32 v37, v40;
	v42 =	vcvt.s32.f32 v42  }
0x29: {  	v56 =	vcvt.s32.f32 v41;
	v57 =	vand.u32 $0x1, v46;
	v44 =	vshrl.u32 v63, v44  }
0x2a: {  	v37 =	vand.u32 $0x1, v37;
	v41 =	vcvt.s32.f32 v57;
	v44 =	vand.u32 $0x1, v44  }
0x2b: {  	v30 =	vsub.f32 v30, v34;
	v37 =	vcvt.s32.f32 v37;
	v44 =	vcvt.s32.f32 v44  }
0x2c: {  	vm8 =	vmand vm8, vm9;
	v11 =	vsub.f32 v11, v55;
	v42 =	vsub.f32 v42, v12  }
0x2d: {  	vm12 =	vmand vm8, vm12;
	v41 =	vsub.f32 v41, v56;
	v44 =	vsub.f32 v44, v37  }
0x2e: {  	v8 =	vadd.f32 v39, v0;
	v11 =	vmul.f32 v11, v61;
	v38 =	vmul.f32 v42, v61  }
0x2f: {  	v39 =	vadd.s32 $0x1, v48;
	v41 =	vmul.f32 v41, v13;
	v13 =	vmul.f32 v44, v13  }
0x30: {  	v53 =	vshrl.u32 v39, $0x2;
	v11 =	vadd.f32 v55, v11;
	v12 =	vadd.f32 v12, v38  }
0x31: {  	v60 =	vcvt.s32.f32 v43;
	v40 =	vadd.f32 v56, v41;
	v13 =	vadd.f32 v37, v13  }
0x32: {  	vm10 =	vle.f32 v8, v6;
	v49 =	vmul.u32 $0x64, v53;
	v12 =	vsub.f32 v12, v11  }
0x33: {  	v59 =	vshrl.u32 v52, $0x2;
	v62 =	vsub.f32 v31, v60;
	v13 =	vsub.f32 v13, v40  }
0x34: {  	vm15 =	vmand vm10, vm11;
	v45 =	vadd.s32 $0x1, v52;
	v41 =	vmul.f32 v12, v30  }
0x35: {  	vm11 =	vge.f32 v8, v4;
	v58 =	vshrl.u32 v45, $0x2;
	v13 =	vmul.f32 v13, v62  }
0x36: {  	v47 =	vtrunc.f32 v8;
	v63 =	vtrunc.f32 v3;
	v7 =	vadd.f32 v41, v11  }
0x37: {  	v54 =	vcvt.f32.s32 v47;
	v6 =	vcvt.f32.s32 v63;
	v53 =	vadd.f32 v13, v40  }
0x38: {  	v44 =	vmul.u32 $0x64, v58;
	v7 =	vnsel vm5, $0x0, v7;
	vm5 =	vmand vm15, vm11  }
0x39: {  	vm15 =	vne.s32 v6, v54;
	v11 =	vnsel vm7, $0x0, v53;
	vm7 =	vmand vm13, vm12  }
0x3a: {  	v50 =	vmul.u32 $0x64, v59;
	v55 =	vadd.s32 v6, v44;
	vm7 =	vmand vm15, vm7  }
0x3b: {  	vm14 =	vge.f32 v15, v5;
	v57 =	vadd.s32 v54, v49;
	v60 =	vadd.s32 $0x1, v55  }
0x3c: {  	v58 =	vadd.s32 v6, v50;
	vm5 =	vmand vm14, vm5;
	vm12 =	vne.s32 v20, v54  }
0x3d: {  	v61 =	vshrl.u32 v48, $0x2;
	v59 =	vadd.s32 $0x1, v58;
	vm5 =	vmand vm12, vm5  }
0x3e: {  	v51 =	vmul.u32 $0x64, v61;
	v62 =	vadd.s32 $0x1, v57  }
0x3f: {  	v17 =	vadd.f32 @p0 v17, v29;
	v46 =	vcvt.s32.f32 v48  }
0x40: {  	v56 =	vadd.s32 v54, v51;
	v44 =	vshll.u32 v45, $0x3;
	v45 =	vshll.u32 v48, $0x3;
	v48 =	vld.idx.msk [tilespmem:v60+s2+$0x0], vm7  }
0x41: {  	v25 =	vmul.f32 @p0 v25, v28;
	v14 =	vmul.f32 @p0 v23, v14;
	v61 =	vadd.s32 $0x1, v56;
	v5 =	vld.idx.msk [tilespmem:v55+s2+$0x0], vm7  }
0x42: {  	v23 =	vnsel @p1 vm4, $0x0, v35;
	v26 =	vmul.f32 @p0 v26, v28;
	vm0 =	vmmov @p0 vm0;
	v20 =	vld.idx.msk [tilespmem:v59+s2+$0x0], vm7  }
0x43: {  	vm1 =	vmmov @p0 vm3;
	v19 =	vadd.f32 @p0 v19, v25;
	v14 =	vadd.f32 @p0 v16, v14;
	v50 =	vld.idx.msk [tilespmem:v62+s2+$0x0], vm5  }
0x44: {  	v18 =	vadd.f32 @p0 v18, v26;
	v25 =	vnsel @p1 vm6, $0x0, v36;
	v39 =	vshll.u32 v39, $0x3;
	v51 =	vld.idx.msk [tilespmem:v58+s2+$0x0], vm7  }
0x45: {  	v47 =	vcvt.s32.f32 v52;
	v63 =	vshll.u32 v52, $0x3;
	v4 =	vcvt.s32.f32 v54;
	v52 =	vld.idx.msk [tilespmem:v57+s2+$0x0], vm5  }
0x46: {  	v23 =	vadd.f32 @p1 v23, v25;
	v17 =	vsub.f32 @p0 v17, v14;
	v39 =	vand.u32 $0x18, v39;
	v53 =	vld.idx.msk [tilespmem:v61+s2+$0x0], vm5  }
0x47: {  	v10 =	vsub.f32 v10, v47;
	v4 =	vsub.f32 v8, v4;
	v6 =	vcvt.s32.f32 v6;
	v12 =	vld.idx.msk [tilespmem:v56+s2+$0x0], vm5  }
0x48: {  	v38 =	vand.u32 $0x18, v63;
	v41 =	vand.u32 $0x18, v45;
	v40 =	vand.u32 $0x18, v44  }
0x49: {  	v13 =	vsub.f32 @p0 v19, v18;
	v3 =	vsub.f32 v3, v6;
	v54 =	vshrl.u32 v48, v40  }
0x4a: {  	v5 =	vshrl.u32 v5, v40;
	v20 =	vshrl.u32 v20, v38;
	v16 =	vshrl.u32 v50, v39  }
0x4b: {  	v6 =	vshrl.u32 v51, v38;
	v8 =	vshrl.u32 v52, v39;
	v19 =	vshrl.u32 v53, v41  }
0x4c: {  	v12 =	vshrl.u32 v12, v41;
	v55 =	vand.u32 $0x1, v54;
	v5 =	vand.u32 $0x1, v5  }
0x4d: {  	v20 =	vand.u32 $0x1, v20;
	v16 =	vand.u32 $0x1, v16;
	v6 =	vand.u32 $0x1, v6  }
0x4e: {  	v8 =	vand.u32 $0x1, v8;
	v25 =	vcvt.s32.f32 v55;
	v5 =	vcvt.s32.f32 v5  }
0x4f: {  	v19 =	vand.u32 $0x1, v19;
	v20 =	vcvt.s32.f32 v20;
	v16 =	vcvt.s32.f32 v16  }
0x50: {  	v12 =	vand.u32 $0x1, v12;
	v6 =	vcvt.s32.f32 v6;
	v19 =	vcvt.s32.f32 v19  }
0x51: {  	v49 =	vsub.f32 v15, v46;
	v8 =	vcvt.s32.f32 v8;
	v12 =	vcvt.s32.f32 v12  }
0x52: {  	vm2 =	vmmov @p0 vm0;
	v56 =	vsub.f32 v25, v20;
	v16 =	vsub.f32 v16, v19  }
0x53: {  	v17 =	vmul.f32 @p0 v17, v24;
	v5 =	vsub.f32 v5, v6;
	v8 =	vsub.f32 v8, v12  }
0x54: {  	v26 =	vadd.f32 @p2 v32, v33;
	v57 =	vmul.f32 v56, v10;
	v16 =	vmul.f32 v16, v49  }
0x55: {  	v14 =	vadd.f32 @p0 v17, v14;
	v5 =	vmul.f32 v5, v10;
	v8 =	vmul.f32 v8, v49  }
0x56: {  	v13 =	vmul.f32 @p0 v13, v22;
	v58 =	vadd.f32 v20, v57;
	v59 =	vadd.f32 v19, v16  }
0x57: {  	vm0 =	vmmov @p0 vm1;
	v5 =	vadd.f32 v6, v5;
	v60 =	vadd.f32 v12, v8  }
0x58: {  	v15 =	vpsel p1, v23, v0;
	v13 =	vadd.f32 @p0 v13, v18;
	vm13 =	vmmov vm7  }
0x59: {  	v8 =	vpsel p0, v14, v21;
	v10 =	vsub.f32 v58, v5;
	v61 =	vsub.f32 v59, v60  }
0x5a: {  	v12 =	vpsel p0, v13, v27;
	v13 =	vpsel p2, v26, v2;
	v8 =	vnsel @p0 vm2, $0x0, v8  }
0x5b: {  	v12 =	vnsel @p0 vm0, $0x0, v12;
	v3 =	vmul.f32 v10, v3;
	v4 =	vmul.f32 v61, v4  }
0x5c: {  	vm14 =	vmmov vm5;
	v8 =	vadd.f32 @p0 v8, v12;
	v10 =	vadd.f32 @p1 v15, v13  }
0x5d: {  	vm15 =	vmmov vm13;
	v3 =	vadd.f32 v3, v5;
	v4 =	vadd.f32 v4, v60  }
0x5e: {  	vm0 =	vmmov vm14;
	v6 =	vpsel p0, v8, v0;
	v5 =	vpsel p1, v10, v2  }
0x5f: {  	v5 =	vadd.f32 @p0 v6, v5;
	v3 =	vnsel vm15, $0x0, v3;
	v4 =	vnsel vm0, $0x0, v4  }
0x60: {  	v62 =	vadd.f32 v11, v7;
	v3 =	vadd.f32 v3, v4  }
0x61: {  	v2 =	vpsel p0, v5, v2  }
0x62: {  	v63 =	vadd.f32 v62, v9;
	v2 =	vadd.f32 v3, v2;
	_ =	sdelay $0x1  }
0x63: {  	v2 =	vadd.f32 v63, v2  }
.LBB2_13:
0x64: {  	_ = 	snop  }
0x65: {  	vm0 =	vgt.f32 v1, v0;
	v62 =	vxor.u32 $0x80000000, v2  }
0x66: {  	v0 =	vsel vm0, v2, v62  }
0x67: {  	v0 =	vmul.f32 $5.000000000e-01, v0;
	_ =	sdelay $0x1  }
0x68: {  	(xrf2) =	vadd.scan.msk.f32 $0xffff, v0;
	_ =	sdelay $0x9  }
0x69: {  	v0, _, _ =	vpop (xrf2)  }
0x6a: {  	(v2sf) =	vpush v0, $0xF;
	_ =	sdelay $0xd  }
0x6b: {  	s12 =	sand.u32 $0x7FFFFFFF, s12;
	s13 =	sand.u32 $0x7FFFFFFF, s13  }
0x6c: {  	s12 =	sadd.f32 s13, s12;
	s14 =	spop (v2sf)  }
0x6d: {  	s31 =	sand.u32 $0x7FFFFFFF, s14  }
0x6e: {  	s12 =	ssub.f32 s12, s31;
	_ =	sdelay $0x1  }
0x6f: {  	v63 =	vmov s12  }
0x70: {  	(erf) = vrcp.f32 v63;
	_ =	sdelay $0x8  }
0x71: {  	v0 =	vpop (erf)  }
0x72: {  	s11 =	sadd.s32 $0x1, s11;
	v0 =	vmul.f32 s31, v0  }
0x73: {  	p0 =	sne.s32 s11, s6  }
.Ltmp1:
0x74: {  	[tilespmem:$0xA80] =	vst v0;
	(pc) =	sbr.rel @!p0 .LBB2_14-.Ltmp1, $4  }
0x75: {  	[hbm4b:s5+s2] =	stream.linear.scatter [tilespmem:s10], [sflag:$0x2], $0x10, $0x38;
	[tilespmem:$0xA90] =	vst v63  }
0x76: {  	_ =	swait.ge [sflag:s8], $0x10  }
0x77: {  	[sflag:s8] =	ssyncset.done $0x0  }
0x78: {  	[sflag:s8] =	ssyncadd.s32 $0xFFFFFFF0  }
.LBB2_1:
0x79: {  	[tilespmem:s2], [sflag:$0x1] =	stream.linear.gather [hbm4b:s3+s2], $0xA00, $0x38;
	[tilespmem:$0xA90] =	vst v63  }
0x7a: {  	_ = 	snop  }
0x7b: {  	[tilespmem:s7], [sflag:$0x2] =	stream.linear.gather [hbm4b:s4+s2], $0x80, $0x38;
	[tilespmem:$0xA90] =	vst v63  }
0x7c: {  	_ =	swait.ge [sflag:s8], $0x80  }
0x7d: {  	[sflag:s8] =	ssyncset.done $0x0  }
0x7e: {  	[sflag:s8] =	ssyncadd.s32 $0xFFFFFF80  }
0x7f: {  	v0 =	vld [tilespmem:$0xA00]  }
0x80: {  	v3 =	vld [tilespmem:$0xA10]  }
0x81: {  	v1 =	vld [tilespmem:$0xA20]  }
0x82: {  	v8 =	vld [tilespmem:$0xA30];
	_ =	sdelay $0x4  }
0x83: {  	v2 =	vsub.f32 v1, v0;
	v4 =	vsub.f32 v8, v3  }
0x84: {  	v5 =	vsub.f32 v0, v1;
	v6 =	vsub.f32 v3, v8  }
0x85: {  	v7 =	vadd.f32 $9.999999970e-07, v2;
	v9 =	vadd.f32 $9.999999970e-07, v4  }
0x86: {  	v5 =	vadd.f32 $9.999999970e-07, v5;
	v10 =	vadd.f32 $9.999999970e-07, v6  }
0x87: {  	v4 =	vmul.f32 v7, v7;
	v6 =	vmul.f32 v9, v9  }
0x88: {  	v11 =	vmul.f32 v5, v5;
	v12 =	vmul.f32 v10, v10  }
0x89: {  	v4 =	vadd.f32 v6, v4  }
0x8a: {  	v6 =	vadd.f32 v12, v11  }
0x8b: {  	v11 =	vshra.s32 v4, $0x1  }
0x8c: {  	v12 =	vmul.f32 $5.000000000e-01, v4;
	v13 =	vshra.s32 v6, $0x1;
	v14 =	vmul.f32 $5.000000000e-01, v6  }
0x8d: {  	v11 =	vsub.s32 $0x5F3759DF, v11;
	v13 =	vsub.s32 $0x5F3759DF, v13  }
0x8e: {  	v15 =	vmul.f32 v11, v12;
	v16 =	vmul.f32 v13, v14;
	_ =	sdelay $0x1  }
0x8f: {  	v15 =	vmul.f32 v11, v15;
	v16 =	vmul.f32 v13, v16;
	_ =	sdelay $0x1  }
0x90: {  	v15 =	vsub.f32 $1.500000000e+00, v15;
	v16 =	vsub.f32 $1.500000000e+00, v16;
	_ =	sdelay $0x1  }
0x91: {  	v11 =	vmul.f32 v11, v15;
	v13 =	vmul.f32 v13, v16  }
0x92: {  	v15 =	vld [tilespmem:$0xA50]  }
0x93: {  	v60 =	vmul.f32 v11, v12;
	v17 =	vmul.f32 v13, v14;
	_ =	sdelay $0x1  }
0x94: {  	v18 =	vld [tilespmem:$0xA70];
	(xrf0) =	vmax.scan.msk.f32 $0xffff, v3;
	v16 =	vmul.f32 v60, v11;
	v17 =	vmul.f32 v17, v13;
	_ =	sdelay $0x1  }
0x95: {  	(xrf0) =	vmax.scan.msk.f32 $0xffff, v15;
	v16 =	vsub.f32 $1.500000000e+00, v16;
	v17 =	vsub.f32 $1.500000000e+00, v17  }
0x96: {  	v62 =	vld [tilespmem:$0xA40]  }
0x97: {  	v20 =	vld [tilespmem:$0xA60];
	v11 =	vmul.f32 v16, v11;
	v13 =	vmul.f32 v17, v13  }
0x98: {  	v15 =	vadd.f32 v18, v15  }
0x99: {  	v19, _, _ =	vpop (xrf0);
	v12 =	vmul.f32 v11, v12;
	v14 =	vmul.f32 v13, v14  }
0x9a: {  	v61 =	vadd.f32 v8, v3;
	v19 =	vbroadcast v19, $0xF;
	v15 =	vmul.f32 $5.000000000e-01, v15  }
0x9b: {  	v63, _, _ =	vpop (xrf0);
	v12 =	vmul.f32 v12, v11;
	v14 =	vmul.f32 v14, v13  }
0x9c: {  	v16 =	vmul.f32 $5.000000000e-01, v61;
	v17 =	vsub.f32 v20, v62;
	v18 =	vbroadcast v63, $0xF  }
0x9d: {  	v12 =	vsub.f32 $1.500000000e+00, v12;
	v14 =	vsub.f32 $1.500000000e+00, v14  }
0x9e: {  	v16 =	vsub.f32 v19, v16;
	v15 =	vsub.f32 v18, v15  }
0x9f: {  	v11 =	vmul.f32 v12, v11;
	v13 =	vmul.f32 v14, v13  }
0xa0: {  	v2 =	vmul.f32 v16, v2;
	v12 =	vmul.f32 v15, v17  }
0xa1: {  	v4 =	vmul.f32 v11, v4;
	v6 =	vmul.f32 v13, v6  }
0xa2: {  	(xrf2) =	vadd.scan.msk.f32 $0xffff, v2  }
0xa3: {  	(xrf2) =	vadd.scan.msk.f32 $0xffff, v12;
	v2 =	vmax.f32 v4, v6  }
0xa4: {  	v2 =	vtrunc.f32 v2  }
0xa5: {  	v2 =	vcvt.f32.s32 v2;
	_ =	sdelay $0x1  }
0xa6: {  	v2 =	vxor.u32 $0x80000000, v2  }
0xa7: {  	(xrf0) =	vmax.scan.msk.u32 $0xffff, v2;
	_ =	sdelay $0x3  }
0xa8: {  	v2, _, _ =	vpop (xrf2)  }
0xa9: {  	(v2sf) =	vpush v2, $0xF;
	v2, _, _ =	vpop (xrf2)  }
0xaa: {  	(v2sf) =	vpush v2, $0xF;
	v2, _, _ =	vpop (xrf0)  }
0xab: {  	(v2sf) =	vpush v2, $0xF;
	_ =	sdelay $0xc  }
0xac: {  	s12 =	spop (v2sf)  }
0xad: {  	s13 =	spop (v2sf)  }
0xae: {  	s14 =	spop (v2sf)  }
0xaf: {  	s14 =	sadd.s32 $0x80000003, s14  }
0xb0: {  	p0 =	slt.s32 s14, $0x90  }
0xb1: {  	s14 =	simm.s32 @!p0 $0x90  }
0xb2: {  	s14 =	sadd.s32 $0x1, s14  }
0xb3: {  	s15 =	sshra.s32 s14, $0x1  }
0xb4: {  	p0 =	slt.s32 s15, $0x1  }
.Ltmp2:
0xb5: {  	_ = 	snop;
	(pc) =	sbr.rel @p0 .LBB2_13-.Ltmp2, $4  }
0xb6: {  	_ = 	snop  }
0xb7: {  	_ =	swait.ge [sflag:s9], $0xA00  }
0xb8: {  	[sflag:s9] =	ssyncset.done $0x0  }
0xb9: {  	v2 =	vimm.f32 $0.0e+00;
	[sflag:s9] =	ssyncadd.s32 $0xFFFFF600  }
0xba: {  	v4 =	vmin.f32 v0, v1  }
0xbb: {  	v6 =	vmax.f32 v0, v1;
	v12 =	vmul.f32 v13, v5;
	v13 =	vmul.f32 v13, v10  }
0xbc: {  	v14 =	vmin.f32 v3, v8;
	s14 =	scvt.s32.f32 s2;
	v10 =	vmul.f32 v11, v7;
	v11 =	vmul.f32 v11, v9  }
0xbd: {  	v7 =	vmax.f32 v3, v8;
	v4 =	vadd.f32 $-1.000000050e-03, v4;
	v6 =	vadd.f32 $1.000000050e-03, v6  }
0xbe: {  	p3 =	sne.s32 s15, $0x1;
	v5 =	vadd.f32 $-1.000000050e-03, v14;
	v9 =	vmul.f32 s14, v12;
	v14 =	vmul.f32 s14, v13  }
.Ltmp3:
0xbf: {  	v7 =	vadd.f32 $1.000000050e-03, v7;
	v39 =	vmul.f32 s14, v10;
	v15 =	vmul.f32 s14, v11;
	s14 =	sadd.f32 $1.000000000e+00, s14;
	(pc) =	sbr.rel @!p3 .LBB2_3-.Ltmp3, $4  }
0xc0: {  	v37 =	vimm.s32 $0xFFF00000;
	v30 =	vadd.f32 v9, v1;
	v38 =	vadd.f32 v14, v8  }
0xc1: {  	v15 =	vadd.f32 v15, v3;
	v9 =	vmul.f32 s14, v12;
	v41 =	vmul.f32 s14, v13  }
0xc2: {  	s15 =	sadd.s32 $0xFFFFFFFF, s15;
	vm6 =	vle.f32 v30, v6;
	vm8 =	vge.f32 v30, v4;
	vm7 =	vge.f32 v38, v5  }
0xc3: {  	p0 =	por $0x0, $0x0;
	p1 =	por $0x0, $0x0;
	p2 =	por $0x0, $0x0;
	vm9 =	vle.f32 v38, v7;
	v42 =	vtrunc.f32 v30;
	v31 =	vadd.f32 v9, v1  }
0xc4: {  	v9 =	vtrunc.f32 v38  }
0xc5: {  	vm0 =	vmand vm6, vm9;
	v19 =	vcvt.f32.s32 v42;
	v27 =	vtrunc.f32 v15  }
0xc6: {  	v18 =	vadd.f32 v41, v8;
	v28 =	vmul.f32 s14, v11;
	v32 =	vmul.f32 s14, v10  }
0xc7: {  	vm0 =	vmand vm0, vm8;
	v9 =	vcvt.f32.s32 v9;
	vm1 =	vle.f32 v31, v6  }
0xc8: {  	vm2 =	vge.f32 v31, v4;
	v14 =	vtrunc.f32 v31;
	v27 =	vcvt.f32.s32 v27  }
0xc9: {  	vm3 =	vge.f32 v18, v5;
	vm4 =	vle.f32 v18, v7;
	v16 =	vtrunc.f32 v18  }
0xca: {  	vm0 =	vmand vm7, vm0;
	v21 =	vcvt.f32.s32 v14;
	v17 =	vshrl.u32 v9, $0x2  }
0xcb: {  	vm1 =	vmand vm1, vm4;
	v20 =	vadd.s32 $0x1, v9;
	v22 =	vcvt.f32.s32 v16  }
0xcc: {  	vm4 =	vne.s32 v37, v19;
	v14 =	vmul.u32 $0x64, v17;
	v16 =	vshrl.u32 v20, $0x2  }
0xcd: {  	vm1 =	vmand vm1, vm2;
	vm0 =	vmand vm4, vm0;
	v16 =	vmul.u32 $0x64, v16  }
0xce: {  	vm2 =	vne.s32 v21, v19;
	v23 =	vadd.s32 $0x1, v22;
	v14 =	vadd.s32 v19, v14  }
0xcf: {  	vm1 =	vmand vm3, vm1;
	v25 =	vshrl.u32 v23, $0x2;
	v17 =	vadd.s32 v19, v16  }
0xd0: {  	v16 =	vshrl.u32 v22, $0x2;
	v24 =	vadd.s32 $0x1, v14;
	v25 =	vmul.u32 $0x64, v25  }
0xd1: {  	vm1 =	vmand vm2, vm1;
	v16 =	vmul.u32 $0x64, v16;
	v26 =	vadd.s32 $0x1, v17  }
0xd2: {  	vm5 =	vle.f32 v15, v7;
	v35 =	vadd.s32 $0x1, v27;
	v25 =	vadd.s32 v21, v25  }
0xd3: {  	v36 =	vcvt.s32.f32 v9;
	v9 =	vshll.u32 v9, $0x3;
	v29 =	vadd.s32 v21, v16;
	v33 =	vld.idx.msk [tilespmem:v14+s2+$0x0], vm0  }
0xd4: {  	v40 =	vshrl.u32 v35, $0x2;
	v14 =	vadd.f32 v28, v3;
	v34 =	vadd.s32 $0x1, v29;
	v28 =	vld.idx.msk [tilespmem:v17+s2+$0x0], vm0  }
0xd5: {  	v9 =	vand.u32 $0x18, v9;
	v20 =	vshll.u32 v20, $0x3;
	v53 =	vadd.s32 $0x1, v25;
	v24 =	vld.idx.msk [tilespmem:v24+s2+$0x0], vm0  }
0xd6: {  	v36 =	vsub.f32 v38, v36;
	v55 =	vcvt.s32.f32 v22;
	v20 =	vand.u32 $0x18, v20;
	v26 =	vld.idx.msk [tilespmem:v26+s2+$0x0], vm0  }
0xd7: {  	v23 =	vshll.u32 v23, $0x3;
	v22 =	vshll.u32 v22, $0x3;
	v19 =	vcvt.s32.f32 v19;
	v25 =	vld.idx.msk [tilespmem:v25+s2+$0x0], vm1  }
0xd8: {  	v23 =	vand.u32 $0x18, v23;
	v18 =	vsub.f32 v18, v55;
	v22 =	vand.u32 $0x18, v22;
	v29 =	vld.idx.msk [tilespmem:v29+s2+$0x0], vm1  }
0xd9: {  	v19 =	vsub.f32 v30, v19;
	v33 =	vshrl.u32 v33, v9;
	v34 =	vld.idx.msk [tilespmem:v34+s2+$0x0], vm1;
	v28 =	vshrl.u32 v28, v20  }
0xda: {  	v9 =	vshrl.u32 v24, v9;
	v24 =	vld.idx.msk [tilespmem:v53+s2+$0x0], vm1;
	v56 =	vand.u32 $0x1, v33;
	v28 =	vand.u32 $0x1, v28  }
0xdb: {  	v9 =	vand.u32 $0x1, v9;
	v20 =	vshrl.u32 v26, v20;
	v26 =	vcvt.s32.f32 v56  }
0xdc: {  	v16 =	vadd.f32 v39, v0;
	v28 =	vcvt.s32.f32 v28;
	v9 =	vcvt.s32.f32 v9  }
0xdd: {  	v20 =	vand.u32 $0x1, v20;
	v25 =	vshrl.u32 v25, v23;
	v29 =	vshrl.u32 v29, v22  }
0xde: {  	v20 =	vcvt.s32.f32 v20;
	v25 =	vand.u32 $0x1, v25;
	v29 =	vand.u32 $0x1, v29  }
0xdf: {  	v22 =	vshrl.u32 v34, v22;
	v29 =	vcvt.s32.f32 v29;
	v23 =	vshrl.u32 v24, v23  }
0xe0: {  	v24 =	vcvt.s32.f32 v25;
	v22 =	vand.u32 $0x1, v22;
	v23 =	vand.u32 $0x1, v23  }
0xe1: {  	v17 =	vadd.f32 v32, v0;
	v22 =	vcvt.s32.f32 v22;
	v23 =	vcvt.s32.f32 v23  }
0xe2: {  	v54 =	vtrunc.f32 v14;
	v25 =	vsub.f32 v28, v26;
	v20 =	vsub.f32 v20, v9  }
0xe3: {  	v39 =	vcvt.f32.s32 v54;
	v24 =	vsub.f32 v24, v29;
	v23 =	vsub.f32 v23, v22  }
0xe4: {  	vm4 =	vle.f32 v16, v6;
	v25 =	vmul.f32 v25, v36;
	v20 =	vmul.f32 v20, v36  }
0xe5: {  	vm3 =	vle.f32 v14, v7;
	v24 =	vmul.f32 v24, v18;
	v18 =	vmul.f32 v23, v18  }
0xe6: {  	vm2 =	vle.f32 v17, v6;
	v9 =	vadd.f32 v9, v20;
	v23 =	vadd.f32 v26, v25  }
0xe7: {  	v20 =	vcvt.s32.f32 v21;
	v24 =	vadd.f32 v29, v24;
	v18 =	vadd.f32 v22, v18  }
0xe8: {  	vm6 =	vge.f32 v17, v4;
	vm2 =	vmand vm2, vm3;
	v9 =	vsub.f32 v9, v23  }
0xe9: {  	v58 =	vshrl.u32 v39, $0x2;
	v20 =	vsub.f32 v31, v20;
	v18 =	vsub.f32 v18, v24  }
0xea: {  	v30 =	vmul.u32 $0x64, v58;
	v28 =	vadd.s32 $0x1, v39;
	v9 =	vmul.f32 v9, v19  }
0xeb: {  	v57 =	vshrl.u32 v28, $0x2;
	v26 =	vtrunc.f32 v16;
	v18 =	vmul.f32 v18, v20  }
0xec: {  	v22 =	vtrunc.f32 v17;
	v19 =	vmul.u32 $0x64, v57;
	v9 =	vadd.f32 v9, v23  }
0xed: {  	v20 =	vcvt.f32.s32 v22;
	v22 =	vcvt.f32.s32 v26;
	v18 =	vadd.f32 v18, v24  }
0xee: {  	v9 =	vnsel vm0, $0x0, v9;
	vm0 =	vmand vm2, vm6;
	vm2 =	vge.f32 v14, v5  }
0xef: {  	vm0 =	vmand vm2, vm0;
	v18 =	vnsel vm1, $0x0, v18;
	vm1 =	vne.s32 v20, v22  }
0xf0: {  	v29 =	vmul.u32 $0x64, v40;
	v19 =	vadd.s32 v20, v19;
	vm0 =	vmand vm1, vm0  }
0xf1: {  	vm3 =	vmand vm4, vm5;
	v23 =	vadd.s32 $0x1, v19  }
0xf2: {  	v24 =	vadd.s32 v20, v30;
	v26 =	vadd.s32 v22, v29;
	vm2 =	vge.f32 v16, v4  }
0xf3: {  	v29 =	vadd.s32 $0x1, v24;
	vm1 =	vmand vm3, vm2;
	vm2 =	vge.f32 v15, v5  }
0xf4: {  	v25 =	vshrl.u32 v27, $0x2;
	vm1 =	vmand vm2, vm1;
	vm2 =	vne.s32 v37, v22  }
0xf5: {  	v25 =	vmul.u32 $0x64, v25;
	vm5 =	vmand vm2, vm1  }
0xf6: {  	v59 =	vshll.u32 v27, $0x3;
	v9 =	vadd.f32 v18, v9;
	v18 =	vadd.s32 $0x1, v26;
	v23 =	vld.idx.msk [tilespmem:v23+s2+$0x0], vm0  }
0xf7: {  	v60 =	vshll.u32 v35, $0x3;
	v27 =	vcvt.s32.f32 v27;
	v25 =	vadd.s32 v22, v25;
	v19 =	vld.idx.msk [tilespmem:v19+s2+$0x0], vm0  }
0xf8: {  	s31 =	simm.s32 $0x2;
	v32 =	vand.u32 $0x18, v59;
	v28 =	vshll.u32 v28, $0x3;
	v30 =	vadd.s32 $0x1, v25;
	v29 =	vld.idx.msk [tilespmem:v29+s2+$0x0], vm0  }
0xf9: {  	s14 =	scvt.s32.f32 s31;
	v62 =	vcvt.s32.f32 v39;
	v61 =	vand.u32 $0x18, v28;
	v28 =	vsub.f32 v15, v27;
	v15 =	vld.idx.msk [tilespmem:v24+s2+$0x0], vm0  }
0xfa: {  	v33 =	vand.u32 $0x18, v60;
	v31 =	vshll.u32 v39, $0x3;
	v22 =	vcvt.s32.f32 v22  }
0xfb: {  	v39 =	vmul.f32 s14, v10;
	v27 =	vand.u32 $0x18, v31;
	v63 =	vcvt.s32.f32 v20;
	v18 =	vld.idx.msk [tilespmem:v18+s2+$0x0], vm5  }
0xfc: {  	v31 =	vmul.f32 s14, v11;
	v14 =	vsub.f32 v14, v62;
	v22 =	vsub.f32 v16, v22;
	v16 =	vld.idx.msk [tilespmem:v26+s2+$0x0], vm5  }
0xfd: {  	v9 =	vadd.f32 v9, v2;
	v24 =	vsub.f32 v17, v63;
	v26 =	vld.idx.msk [tilespmem:v30+s2+$0x0], vm5;
	v17 =	vshrl.u32 v23, v61  }
0xfe: {  	v19 =	vshrl.u32 v19, v61;
	v23 =	vld.idx.msk [tilespmem:v25+s2+$0x0], vm5;
	v25 =	vshrl.u32 v29, v27;
	v15 =	vshrl.u32 v15, v27  }
0xff: {  	v17 =	vand.u32 $0x1, v17;
	v19 =	vand.u32 $0x1, v19;
	v15 =	vand.u32 $0x1, v15  }
0x100: {  	v29 =	vcvt.s32.f32 v17;
	v17 =	vshrl.u32 v18, v33;
	v30 =	vcvt.s32.f32 v19  }
0x101: {  	v18 =	vand.u32 $0x1, v25;
	v16 =	vshrl.u32 v16, v33;
	v19 =	vand.u32 $0x1, v17  }
0x102: {  	v17 =	vcvt.s32.f32 v18;
	v18 =	vand.u32 $0x1, v16;
	v16 =	vcvt.s32.f32 v15  }
0x103: {  	v25 =	vcvt.s32.f32 v19;
	v19 =	vshrl.u32 v26, v32;
	v26 =	vcvt.s32.f32 v18  }
0x104: {  	v15 =	vshrl.u32 v23, v32;
	v19 =	vand.u32 $0x1, v19;
	v27 =	vsub.f32 v29, v17  }
0x105: {  	v29 =	vmul.f32 s14, v13;
	v15 =	vand.u32 $0x1, v15;
	v19 =	vcvt.s32.f32 v19  }
0x106: {  	p3 =	sne.s32 s15, $0x1;
	v23 =	vsub.f32 v30, v16;
	v18 =	vcvt.s32.f32 v15;
	v15 =	vmul.f32 s14, v12  }
.Ltmp4:
0x107: {  	vm0 =	vmmov vm0;
	s14 =	sadd.f32 $1.000000000e+00, s14;
	v38 =	vadd.f32 v29, v8;
	v25 =	vsub.f32 v25, v19;
	(pc) =	sbr.rel @!p3 .LBB2_5-.Ltmp4, $4  }
0x108: {  	v29 =	vmul.f32 v27, v14;
	v26 =	vsub.f32 v26, v18;
	v30 =	vadd.f32 v15, v1  }
0x109: {  	v15 =	vadd.f32 v31, v3;
	v27 =	vmul.f32 s14, v12;
	v41 =	vmul.f32 s14, v13  }
0x10a: {  	vm7 =	vge.f32 v38, v5;
	vm9 =	vle.f32 v38, v7;
	vm6 =	vle.f32 v30, v6  }
0x10b: {  	s15 =	sadd.s32 $0xFFFFFFFF, s15;
	p0 =	por $0x1, $0x1;
	vm8 =	vge.f32 v30, v4;
	v42 =	vtrunc.f32 v30;
	v31 =	vadd.f32 v27, v1  }
0x10c: {  	vm2 =	vmand vm6, vm9;
	v27 =	vtrunc.f32 v38;
	v34 =	vcvt.f32.s32 v42  }
0x10d: {  	v32 =	vadd.f32 v41, v8;
	v45 =	vtrunc.f32 v15;
	v46 =	vmul.f32 s14, v11  }
0x10e: {  	vm1 =	vmmov vm5;
	v48 =	vmul.f32 s14, v10;
	v14 =	vmul.f32 v23, v14  }
0x10f: {  	v23 =	vmul.f32 v25, v28;
	v25 =	vmul.f32 v26, v28;
	vm2 =	vmand vm2, vm8  }
0x110: {  	v35 =	vcvt.f32.s32 v27;
	vm3 =	vle.f32 v31, v6;
	vm4 =	vge.f32 v31, v4  }
0x111: {  	v27 =	vtrunc.f32 v31;
	v45 =	vcvt.f32.s32 v45;
	vm5 =	vge.f32 v32, v5  }
0x112: {  	vm6 =	vle.f32 v32, v7;
	v33 =	vtrunc.f32 v32;
	vm2 =	vmand vm7, vm2  }
0x113: {  	v37 =	vcvt.f32.s32 v27;
	vm7 =	vle.f32 v15, v7;
	v36 =	vshrl.u32 v35, $0x2  }
0x114: {  	vm3 =	vmand vm3, vm6;
	v40 =	vadd.s32 $0x1, v35;
	v57 =	vcvt.f32.s32 v33  }
0x115: {  	vm6 =	vne.s32 v21, v34;
	v50 =	vadd.s32 $0x1, v45;
	v51 =	vcvt.s32.f32 v35  }
0x116: {  	v35 =	vshll.u32 v35, $0x3;
	v27 =	vmul.u32 $0x64, v36;
	v56 =	vshrl.u32 v40, $0x2  }
0x117: {  	vm2 =	vmand vm6, vm2;
	vm3 =	vmand vm3, vm4;
	v21 =	vmul.u32 $0x64, v56  }
0x118: {  	vm4 =	vne.s32 v37, v34;
	v58 =	vadd.s32 $0x1, v57;
	v27 =	vadd.s32 v34, v27  }
0x119: {  	vm3 =	vmand vm5, vm3;
	v59 =	vshrl.u32 v58, $0x2;
	v36 =	vadd.s32 v34, v21  }
0x11a: {  	v21 =	vshrl.u32 v57, $0x2;
	v43 =	vadd.s32 $0x1, v27;
	v33 =	vmul.u32 $0x64, v59  }
0x11b: {  	vm3 =	vmand vm4, vm3;
	v21 =	vmul.u32 $0x64, v21;
	v44 =	vadd.s32 $0x1, v36  }
0x11c: {  	v53 =	vshrl.u32 v50, $0x2;
	v35 =	vand.u32 $0x18, v35;
	v49 =	vadd.s32 v37, v33  }
0x11d: {  	v40 =	vshll.u32 v40, $0x3;
	v63 =	vsub.f32 v38, v51;
	v47 =	vadd.s32 v37, v21;
	v60 =	vld.idx.msk [tilespmem:v27+s2+$0x0], vm2  }
0x11e: {  	v54 =	vcvt.s32.f32 v57;
	v40 =	vand.u32 $0x18, v40;
	v62 =	vadd.s32 $0x1, v49;
	v36 =	vld.idx.msk [tilespmem:v36+s2+$0x0], vm2  }
0x11f: {  	v41 =	vshll.u32 v57, $0x3;
	v51 =	vmul.u32 $0x64, v53;
	v61 =	vadd.s32 $0x1, v47;
	v43 =	vld.idx.msk [tilespmem:v43+s2+$0x0], vm2  }
0x120: {  	v42 =	vshll.u32 v58, $0x3;
	v34 =	vcvt.s32.f32 v34;
	v33 =	vadd.f32 v46, v3;
	v44 =	vld.idx.msk [tilespmem:v44+s2+$0x0], vm2  }
0x121: {  	v41 =	vand.u32 $0x18, v41;
	v42 =	vand.u32 $0x18, v42;
	v32 =	vsub.f32 v32, v54;
	v49 =	vld.idx.msk [tilespmem:v49+s2+$0x0], vm3  }
0x122: {  	v59 =	vcvt.s32.f32 v37;
	v30 =	vsub.f32 v30, v34;
	v52 =	vtrunc.f32 v33;
	v47 =	vld.idx.msk [tilespmem:v47+s2+$0x0], vm3  }
0x123: {  	v21 =	vadd.f32 v39, v0;
	v27 =	vadd.f32 v48, v0;
	v52 =	vcvt.f32.s32 v52;
	v48 =	vld.idx.msk [tilespmem:v62+s2+$0x0], vm3  }
0x124: {  	v39 =	vshrl.u32 v60, v35;
	v46 =	vld.idx.msk [tilespmem:v61+s2+$0x0], vm3;
	v36 =	vshrl.u32 v36, v40;
	v35 =	vshrl.u32 v43, v35  }
0x125: {  	v39 =	vand.u32 $0x1, v39;
	v36 =	vand.u32 $0x1, v36;
	v35 =	vand.u32 $0x1, v35  }
0x126: {  	v40 =	vshrl.u32 v44, v40;
	v39 =	vcvt.s32.f32 v39;
	v36 =	vcvt.s32.f32 v36  }
0x127: {  	v35 =	vcvt.s32.f32 v35;
	v40 =	vand.u32 $0x1, v40;
	v56 =	vshrl.u32 v49, v42  }
0x128: {  	v55 =	vshrl.u32 v47, v41;
	v40 =	vcvt.s32.f32 v40;
	v44 =	vand.u32 $0x1, v56  }
0x129: {  	v42 =	vshrl.u32 v48, v42;
	v43 =	vand.u32 $0x1, v55;
	v41 =	vshrl.u32 v46, v41  }
0x12a: {  	v44 =	vcvt.s32.f32 v44;
	v42 =	vand.u32 $0x1, v42;
	v36 =	vsub.f32 v36, v39  }
0x12b: {  	v43 =	vcvt.s32.f32 v43;
	v41 =	vand.u32 $0x1, v41;
	v40 =	vsub.f32 v40, v35  }
0x12c: {  	v31 =	vsub.f32 v31, v59;
	v42 =	vcvt.s32.f32 v42;
	v41 =	vcvt.s32.f32 v41  }
0x12d: {  	vm5 =	vle.f32 v33, v7;
	v36 =	vmul.f32 v36, v63;
	v38 =	vmul.f32 v40, v63  }
0x12e: {  	vm6 =	vle.f32 v21, v6;
	v44 =	vsub.f32 v44, v43;
	v42 =	vsub.f32 v42, v41  }
0x12f: {  	vm4 =	vle.f32 v27, v6;
	v36 =	vadd.f32 v39, v36;
	v35 =	vadd.f32 v35, v38  }
0x130: {  	vm8 =	vge.f32 v27, v4;
	v44 =	vmul.f32 v44, v32;
	v32 =	vmul.f32 v42, v32  }
0x131: {  	v58 =	vshrl.u32 v52, $0x2;
	vm4 =	vmand vm4, vm5;
	v62 =	vsub.f32 v35, v36  }
0x132: {  	v49 =	vtrunc.f32 v21;
	v60 =	vadd.f32 v43, v44;
	v32 =	vadd.f32 v41, v32  }
0x133: {  	vm5 =	vmand vm6, vm7;
	v54 =	vcvt.f32.s32 v49;
	v30 =	vmul.f32 v62, v30  }
0x134: {  	v53 =	vmul.u32 $0x64, v58;
	v46 =	vadd.s32 $0x1, v52;
	v32 =	vsub.f32 v32, v60  }
0x135: {  	v57 =	vshrl.u32 v46, $0x2;
	v55 =	vadd.s32 v54, v51;
	v30 =	vadd.f32 v30, v36  }
0x136: {  	v48 =	vmul.u32 $0x64, v57;
	v63 =	vtrunc.f32 v27;
	v31 =	vmul.f32 v32, v31  }
0x137: {  	v40 =	vadd.s32 $0x1, v55;
	v30 =	vnsel vm2, $0x0, v30;
	vm2 =	vge.f32 v21, v4  }
0x138: {  	v31 =	vadd.f32 v31, v60;
	vm2 =	vmand vm5, vm2;
	vm5 =	vge.f32 v15, v5  }
0x139: {  	v32 =	vcvt.f32.s32 v63;
	vm2 =	vmand vm5, vm2;
	vm5 =	vne.s32 v20, v54  }
0x13a: {  	v31 =	vnsel vm3, $0x0, v31;
	vm3 =	vmand vm4, vm8;
	vm4 =	vge.f32 v33, v5  }
0x13b: {  	vm5 =	vmand vm5, vm2;
	vm3 =	vmand vm4, vm3;
	vm4 =	vne.s32 v32, v54  }
0x13c: {  	v30 =	vadd.f32 v31, v30;
	v31 =	vadd.s32 v32, v48;
	vm3 =	vmand vm4, vm3  }
0x13d: {  	v17 =	vadd.f32 v17, v29;
	v16 =	vadd.f32 v16, v14;
	v57 =	vadd.s32 $0x1, v31  }
0x13e: {  	v19 =	vadd.f32 v19, v23;
	v25 =	vadd.f32 v18, v25;
	v56 =	vadd.s32 v32, v53  }
0x13f: {  	v26 =	vcvt.s32.f32 v52;
	v61 =	vshrl.u32 v45, $0x2;
	v20 =	vadd.s32 $0x1, v56  }
0x140: {  	v17 =	vsub.f32 v17, v16;
	v42 =	vmul.u32 $0x64, v61;
	v63 =	vcvt.s32.f32 v45  }
0x141: {  	v19 =	vsub.f32 v19, v25;
	v14 =	vsub.f32 v33, v26;
	v26 =	vld.idx.msk [tilespmem:v40+s2+$0x0], vm5  }
0x142: {  	s31 =	simm.s32 $0x4;
	v35 =	vsub.f32 v15, v63;
	v9 =	vadd.f32 v30, v9;
	v30 =	vadd.s32 v54, v42;
	v15 =	vld.idx.msk [tilespmem:v57+s2+$0x0], vm3  }
0x143: {  	s14 =	scvt.s32.f32 s31;
	v59 =	vshll.u32 v52, $0x3;
	v18 =	vcvt.s32.f32 v54;
	v58 =	vadd.s32 $0x1, v30;
	v29 =	vld.idx.msk [tilespmem:v31+s2+$0x0], vm3  }
0x144: {  	v17 =	vmul.f32 v17, v24;
	v22 =	vmul.f32 v19, v22;
	v23 =	vand.u32 $0x18, v59;
	v20 =	vld.idx.msk [tilespmem:v20+s2+$0x0], vm3  }
0x145: {  	v39 =	vmul.f32 s14, v10;
	v61 =	vshll.u32 v45, $0x3;
	v40 =	vsub.f32 v21, v18;
	v18 =	vld.idx.msk [tilespmem:v56+s2+$0x0], vm3  }
0x146: {  	v62 =	vshll.u32 v50, $0x3;
	v60 =	vshll.u32 v46, $0x3;
	v28 =	vcvt.s32.f32 v32  }
0x147: {  	v43 =	vand.u32 $0x18, v61;
	v44 =	vand.u32 $0x18, v62;
	v46 =	vand.u32 $0x18, v60  }
0x148: {  	v33 =	vsub.f32 v27, v28;
	vm2 =	vmmov vm0;
	vm0 =	vmmov vm3;
	v19 =	vld.idx.msk [tilespmem:v58+s2+$0x0], vm5  }
0x149: {  	v21 =	vadd.f32 v17, v16;
	v15 =	vshrl.u32 v15, v46;
	v27 =	vshrl.u32 v29, v46  }
0x14a: {  	v24 =	vld.idx.msk [tilespmem:v55+s2+$0x0], vm5;
	v17 =	vshrl.u32 v20, v23;
	v20 =	vshrl.u32 v26, v44;
	v18 =	vshrl.u32 v18, v23  }
0x14b: {  	v15 =	vand.u32 $0x1, v15;
	v16 =	vand.u32 $0x1, v27;
	v20 =	vand.u32 $0x1, v20  }
0x14c: {  	v28 =	vld.idx.msk [tilespmem:v30+s2+$0x0], vm5;
	v18 =	vand.u32 $0x1, v18;
	v27 =	vadd.f32 v22, v25;
	v22 =	vmul.f32 s14, v12  }
0x14d: {  	v19 =	vshrl.u32 v19, v43;
	v15 =	vcvt.s32.f32 v15;
	v26 =	vcvt.s32.f32 v16  }
0x14e: {  	v16 =	vand.u32 $0x1, v17;
	v20 =	vcvt.s32.f32 v20;
	v19 =	vand.u32 $0x1, v19  }
0x14f: {  	v17 =	vcvt.s32.f32 v16;
	v16 =	vshrl.u32 v24, v44;
	v19 =	vcvt.s32.f32 v19  }
0x150: {  	v30 =	vadd.f32 v22, v1;
	v23 =	vand.u32 $0x1, v16;
	v16 =	vcvt.s32.f32 v18  }
0x151: {  	v18 =	vshrl.u32 v28, v43;
	v28 =	vmul.f32 s14, v13;
	v24 =	vcvt.s32.f32 v23  }
0x152: {  	p3 =	sne.s32 s15, $0x1;
	v18 =	vand.u32 $0x1, v18;
	v15 =	vsub.f32 v15, v17;
	v25 =	vsub.f32 v20, v19  }
.Ltmp5:
0x153: {  	v20 =	vmul.f32 s14, v11;
	s14 =	sadd.f32 $1.000000000e+00, s14;
	vm6 =	vle.f32 v30, v6;
	vm8 =	vge.f32 v30, v4;
	(pc) =	sbr.rel @!p3 .LBB2_7-.Ltmp5, $4  }
0x154: {  	v42 =	vtrunc.f32 v30;
	v18 =	vcvt.s32.f32 v18;
	v38 =	vadd.f32 v28, v8  }
0x155: {  	v29 =	vmul.f32 v15, v14;
	v15 =	vadd.f32 v20, v3;
	v20 =	vmul.f32 s14, v12  }
0x156: {  	v23 =	vsub.f32 v26, v16;
	v41 =	vmul.f32 s14, v13;
	v26 =	vsub.f32 v24, v18  }
0x157: {  	s16 =	sadd.s32 $0xFFFFFFFF, s15;
	p1 =	por $0x1, $0x1;
	vm7 =	vge.f32 v38, v5;
	vm9 =	vle.f32 v38, v7;
	v31 =	vadd.f32 v20, v1  }
0x158: {  	vm6 =	vmand vm6, vm9  }
0x159: {  	v20 =	vtrunc.f32 v38;
	v28 =	vadd.f32 v41, v8;
	vm4 =	vmmov vm1  }
0x15a: {  	vm3 =	vmmov vm5;
	v41 =	vcvt.f32.s32 v42;
	v47 =	vtrunc.f32 v15  }
0x15b: {  	v48 =	vmul.f32 s14, v11;
	v50 =	vmul.f32 s14, v10;
	v17 =	vadd.f32 v17, v29  }
0x15c: {  	v25 =	vmul.f32 v25, v35;
	v23 =	vmul.f32 v23, v14;
	v29 =	vnsel vm2, $0x0, v21  }
0x15d: {  	v26 =	vmul.f32 v26, v35;
	vm5 =	vmand vm6, vm8;
	v20 =	vcvt.f32.s32 v20  }
0x15e: {  	vm6 =	vle.f32 v31, v6;
	vm8 =	vge.f32 v31, v4;
	v22 =	vtrunc.f32 v31  }
0x15f: {  	v47 =	vcvt.f32.s32 v47;
	vm9 =	vge.f32 v28, v5;
	vm10 =	vle.f32 v28, v7  }
0x160: {  	v24 =	vtrunc.f32 v28;
	vm5 =	vmand vm7, vm5;
	v34 =	vcvt.f32.s32 v22  }
0x161: {  	vm7 =	vne.s32 v37, v41;
	v16 =	vadd.f32 v16, v23;
	v19 =	vadd.f32 v19, v25  }
0x162: {  	v26 =	vadd.f32 v18, v26;
	v18 =	vnsel vm4, $0x0, v27;
	v36 =	vshrl.u32 v20, $0x2  }
0x163: {  	vm6 =	vmand vm6, vm10;
	v58 =	vadd.s32 $0x1, v20;
	v43 =	vcvt.f32.s32 v24  }
0x164: {  	vm5 =	vmand vm7, vm5;
	v22 =	vmul.u32 $0x64, v36;
	v24 =	vshrl.u32 v58, $0x2  }
0x165: {  	v52 =	vadd.s32 $0x1, v47;
	vm6 =	vmand vm6, vm8;
	v24 =	vmul.u32 $0x64, v24  }
0x166: {  	vm7 =	vne.s32 v34, v41;
	vm6 =	vmand vm9, vm6;
	v22 =	vadd.s32 v41, v22  }
0x167: {  	v59 =	vshrl.u32 v43, $0x2;
	v60 =	vadd.s32 $0x1, v43;
	v24 =	vadd.s32 v41, v24  }
0x168: {  	v36 =	vmul.u32 $0x64, v59;
	v45 =	vshrl.u32 v60, $0x2;
	v44 =	vadd.s32 $0x1, v22  }
0x169: {  	vm6 =	vmand vm7, vm6;
	v45 =	vmul.u32 $0x64, v45;
	v46 =	vadd.s32 $0x1, v24  }
0x16a: {  	v53 =	vcvt.s32.f32 v20;
	v20 =	vshll.u32 v20, $0x3;
	v49 =	vadd.s32 v34, v36  }
0x16b: {  	vm10 =	vle.f32 v15, v7;
	v20 =	vand.u32 $0x18, v20;
	v45 =	vadd.s32 v34, v45;
	v51 =	vld.idx.msk [tilespmem:v22+s2+$0x0], vm5  }
0x16c: {  	v42 =	vshll.u32 v58, $0x3;
	v56 =	vsub.f32 v38, v53;
	v62 =	vadd.s32 $0x1, v49;
	v61 =	vld.idx.msk [tilespmem:v24+s2+$0x0], vm5  }
0x16d: {  	v57 =	vcvt.s32.f32 v43;
	v42 =	vand.u32 $0x18, v42;
	v63 =	vadd.s32 $0x1, v45;
	v44 =	vld.idx.msk [tilespmem:v44+s2+$0x0], vm5  }
0x16e: {  	v43 =	vshll.u32 v43, $0x3;
	v37 =	vshll.u32 v60, $0x3;
	v41 =	vcvt.s32.f32 v41;
	v46 =	vld.idx.msk [tilespmem:v46+s2+$0x0], vm5  }
0x16f: {  	v43 =	vand.u32 $0x18, v43;
	v37 =	vand.u32 $0x18, v37;
	v36 =	vadd.f32 v48, v3;
	v49 =	vld.idx.msk [tilespmem:v49+s2+$0x0], vm6  }
0x170: {  	v28 =	vsub.f32 v28, v57;
	v57 =	vcvt.s32.f32 v34;
	v30 =	vsub.f32 v30, v41;
	v45 =	vld.idx.msk [tilespmem:v45+s2+$0x0], vm6  }
0x171: {  	v54 =	vtrunc.f32 v36;
	v22 =	vadd.f32 v39, v0;
	v48 =	vld.idx.msk [tilespmem:v62+s2+$0x0], vm6;
	v51 =	vshrl.u32 v51, v20  }
0x172: {  	v58 =	vld.idx.msk [tilespmem:v63+s2+$0x0], vm6;
	v39 =	vshrl.u32 v61, v42;
	v20 =	vshrl.u32 v44, v20;
	v59 =	vand.u32 $0x1, v51  }
0x173: {  	v39 =	vand.u32 $0x1, v39;
	v20 =	vand.u32 $0x1, v20;
	v42 =	vshrl.u32 v46, v42  }
0x174: {  	v60 =	vcvt.s32.f32 v59;
	v49 =	vshrl.u32 v49, v43;
	v39 =	vcvt.s32.f32 v39  }
0x175: {  	v20 =	vcvt.s32.f32 v20;
	v42 =	vand.u32 $0x1, v42;
	v49 =	vand.u32 $0x1, v49  }
0x176: {  	v45 =	vshrl.u32 v45, v37;
	v43 =	vshrl.u32 v48, v43;
	v42 =	vcvt.s32.f32 v42  }
0x177: {  	v61 =	vcvt.s32.f32 v49;
	v45 =	vand.u32 $0x1, v45;
	v37 =	vshrl.u32 v58, v37  }
0x178: {  	v43 =	vand.u32 $0x1, v43;
	v62 =	vcvt.s32.f32 v45;
	v37 =	vand.u32 $0x1, v37  }
0x179: {  	v31 =	vsub.f32 v31, v57;
	v43 =	vcvt.s32.f32 v43;
	v37 =	vcvt.s32.f32 v37  }
0x17a: {  	vm8 =	vle.f32 v36, v7;
	v39 =	vsub.f32 v39, v60;
	v42 =	vsub.f32 v42, v20  }
0x17b: {  	v54 =	vcvt.f32.s32 v54;
	v44 =	vsub.f32 v62, v61;
	v37 =	vsub.f32 v37, v43  }
0x17c: {  	v24 =	vadd.f32 v50, v0;
	v39 =	vmul.f32 v39, v56;
	v38 =	vmul.f32 v42, v56  }
0x17d: {  	v53 =	vshrl.u32 v54, $0x2;
	v44 =	vmul.f32 v44, v28;
	v28 =	vmul.f32 v37, v28  }
0x17e: {  	vm9 =	vle.f32 v22, v6;
	v56 =	vadd.f32 v60, v39;
	v20 =	vadd.f32 v20, v38  }
0x17f: {  	vm7 =	vle.f32 v24, v6;
	v44 =	vadd.f32 v61, v44;
	v28 =	vadd.f32 v43, v28  }
0x180: {  	vm11 =	vge.f32 v24, v4;
	vm7 =	vmand vm7, vm8;
	v20 =	vsub.f32 v20, v56  }
0x181: {  	vm8 =	vmand vm9, vm10;
	v59 =	vtrunc.f32 v24;
	v28 =	vsub.f32 v28, v44  }
0x182: {  	v58 =	vshrl.u32 v47, $0x2;
	v45 =	vadd.s32 $0x1, v54;
	v20 =	vmul.f32 v20, v30  }
0x183: {  	v63 =	vshrl.u32 v45, $0x2;
	v39 =	vmul.u32 $0x64, v58;
	v28 =	vmul.f32 v28, v31  }
0x184: {  	v61 =	vmul.u32 $0x64, v53;
	v30 =	vmul.u32 $0x64, v63;
	v37 =	vadd.f32 v20, v56  }
0x185: {  	v31 =	vtrunc.f32 v22;
	v20 =	vcvt.f32.s32 v59;
	v28 =	vadd.f32 v28, v44  }
0x186: {  	v31 =	vcvt.f32.s32 v31;
	v37 =	vnsel vm5, $0x0, v37;
	vm5 =	vge.f32 v22, v4  }
0x187: {  	vm5 =	vmand vm8, vm5;
	vm8 =	vge.f32 v15, v5;
	v28 =	vnsel vm6, $0x0, v28  }
0x188: {  	vm6 =	vmand vm7, vm11;
	vm7 =	vge.f32 v36, v5;
	vm5 =	vmand vm8, vm5  }
0x189: {  	vm8 =	vne.s32 v32, v31;
	v28 =	vadd.f32 v28, v37;
	v37 =	vadd.s32 v31, v39  }
0x18a: {  	vm6 =	vmand vm7, vm6;
	vm7 =	vne.s32 v20, v31;
	vm5 =	vmand vm8, vm5  }
0x18b: {  	v30 =	vadd.s32 v20, v30;
	v53 =	vadd.s32 $0x1, v37;
	vm6 =	vmand vm7, vm6  }
0x18c: {  	vm4 =	vmmov vm0;
	v55 =	vshrl.u32 v52, $0x2;
	v63 =	vadd.s32 $0x1, v30  }
0x18d: {  	v17 =	vsub.f32 v17, v16;
	v60 =	vmul.u32 $0x64, v55;
	v39 =	vadd.s32 v20, v61  }
0x18e: {  	s15 =	simm.s32 $0x6;
	v62 =	vadd.s32 $0x1, v39;
	v9 =	vadd.f32 v28, v9;
	v28 =	vshll.u32 v54, $0x3  }
0x18f: {  	s31 =	scvt.s32.f32 s15;
	v19 =	vsub.f32 v19, v26;
	v59 =	vand.u32 $0x18, v28;
	v28 =	vcvt.s32.f32 v47  }
0x190: {  	v17 =	vmul.f32 v17, v33;
	v38 =	vadd.s32 v31, v60;
	v32 =	vadd.f32 v29, v18;
	v18 =	vld.idx.msk [tilespmem:v53+s2+$0x0], vm5  }
0x191: {  	s14 =	sadd.f32 $1.000000000e+00, s31;
	v33 =	vimm.f32 $0.0e+00;
	v55 =	vadd.s32 $0x1, v38;
	v28 =	vsub.f32 v15, v28;
	v15 =	vld.idx.msk [tilespmem:v63+s2+$0x0], vm6  }
0x192: {  	v35 =	vadd.f32 v17, v16;
	v58 =	vshll.u32 v52, $0x3;
	v23 =	vcvt.s32.f32 v31;
	v30 =	vld.idx.msk [tilespmem:v30+s2+$0x0], vm6  }
0x193: {  	v57 =	vshll.u32 v47, $0x3;
	v41 =	vmul.f32 s14, v13;
	v46 =	vand.u32 $0x18, v58;
	v25 =	vld.idx.msk [tilespmem:v62+s2+$0x0], vm6  }
0x194: {  	v60 =	vcvt.s32.f32 v54;
	v29 =	vmul.f32 v19, v40;
	v22 =	vsub.f32 v22, v23;
	v23 =	vld.idx.msk [tilespmem:v39+s2+$0x0], vm6  }
0x195: {  	v56 =	vshll.u32 v45, $0x3;
	v45 =	vand.u32 $0x18, v57;
	v61 =	vcvt.s32.f32 v20  }
0x196: {  	v44 =	vand.u32 $0x18, v56;
	v14 =	vsub.f32 v36, v60;
	v36 =	vadd.f32 v29, v26;
	v31 =	vld.idx.msk [tilespmem:v55+s2+$0x0], vm5  }
0x197: {  	v29 =	vmul.f32 s31, v12;
	v24 =	vsub.f32 v24, v61;
	vm0 =	vmmov vm6  }
0x198: {  	v62 =	vld.idx.msk [tilespmem:v38+s2+$0x0], vm5;
	v63 =	vmul.f32 s31, v13;
	v18 =	vshrl.u32 v18, v45;
	v15 =	vshrl.u32 v15, v44  }
0x199: {  	v19 =	vshrl.u32 v30, v44;
	v30 =	vld.idx.msk [tilespmem:v37+s2+$0x0], vm5;
	v17 =	vshrl.u32 v25, v59;
	v23 =	vshrl.u32 v23, v59  }
0x19a: {  	v18 =	vand.u32 $0x1, v18;
	v15 =	vand.u32 $0x1, v15;
	v16 =	vand.u32 $0x1, v19  }
0x19b: {  	v19 =	vshrl.u32 v31, v46;
	v25 =	vcvt.s32.f32 v16;
	v16 =	vand.u32 $0x1, v17  }
0x19c: {  	v15 =	vcvt.s32.f32 v15;
	v19 =	vand.u32 $0x1, v19;
	v17 =	vcvt.s32.f32 v16  }
0x19d: {  	v16 =	vshrl.u32 v62, v46;
	v31 =	vcvt.s32.f32 v19;
	v19 =	vand.u32 $0x1, v23  }
0x19e: {  	v23 =	vand.u32 $0x1, v16;
	v16 =	vcvt.s32.f32 v19;
	v19 =	vshrl.u32 v30, v45  }
0x19f: {  	v30 =	vcvt.s32.f32 v23;
	v23 =	vand.u32 $0x1, v19;
	v19 =	vcvt.s32.f32 v18  }
0x1a0: {  	p3 =	sne.s32 s16, $0x1;
	v38 =	vadd.f32 v63, v8;
	v15 =	vsub.f32 v15, v17;
	v18 =	vcvt.s32.f32 v23  }
.Ltmp6:
0x1a1: {  	v23 =	vsub.f32 v25, v16;
	v25 =	vsub.f32 v31, v19;
	v31 =	vmul.f32 s31, v11;
	(pc) =	sbr.rel @!p3 .LBB2_9-.Ltmp6, $4  }
0x1a2: {  	v39 =	vmul.f32 s31, v10;
	v26 =	vsub.f32 v30, v18;
	v30 =	vadd.f32 v29, v1  }
0x1a3: {  	v29 =	vmul.f32 v15, v14;
	v15 =	vadd.f32 v31, v3;
	v31 =	vmul.f32 s14, v12  }
0x1a4: {  	vm7 =	vge.f32 v38, v5;
	vm9 =	vle.f32 v38, v7;
	vm6 =	vle.f32 v30, v6  }
0x1a5: {  	s16 =	sadd.s32 $0xFFFFFFFF, s16;
	p2 =	por $0x1, $0x1;
	vm8 =	vge.f32 v30, v4;
	v42 =	vtrunc.f32 v30;
	v31 =	vadd.f32 v31, v1  }
.LBB2_10:
0x1a6: {  	vm9 =	vmand vm6, vm9;
	v37 =	vtrunc.f32 v38  }
0x1a7: {  	p3 =	sne.s32 s16, $0x1;
	v44 =	vadd.f32 v41, v8;
	vm6 =	vmmov vm3;
	vm3 =	vmmov vm5  }
0x1a8: {  	v45 =	vcvt.f32.s32 v42;
	vm5 =	vmand vm9, vm8;
	v43 =	vcvt.f32.s32 v37  }
0x1a9: {  	vm8 =	vle.f32 v31, v6;
	vm9 =	vge.f32 v31, v4;
	vm10 =	vge.f32 v44, v5  }
0x1aa: {  	v37 =	vtrunc.f32 v31;
	vm11 =	vle.f32 v44, v7;
	v40 =	vtrunc.f32 v44  }
0x1ab: {  	vm5 =	vmand vm7, vm5;
	v41 =	vshrl.u32 v43, $0x2;
	vm7 =	vmand vm8, vm11  }
0x1ac: {  	v47 =	vcvt.f32.s32 v37;
	v46 =	vadd.s32 $0x1, v43;
	v48 =	vcvt.f32.s32 v40  }
0x1ad: {  	vm8 =	vne.s32 v34, v45;
	v37 =	vmul.u32 $0x64, v41;
	v41 =	vshrl.u32 v46, $0x2  }
0x1ae: {  	vm5 =	vmand vm8, vm5;
	vm7 =	vmand vm7, vm9;
	v34 =	vmovc v47;
	v40 =	vmul.u32 $0x64, v41  }
0x1af: {  	vm8 =	vne.s32 v47, v45;
	vm7 =	vmand vm10, vm7;
	v37 =	vadd.s32 v45, v37  }
0x1b0: {  	v49 =	vadd.s32 $0x1, v48;
	v41 =	vshrl.u32 v48, $0x2;
	v40 =	vadd.s32 v45, v40  }
0x1b1: {  	v41 =	vmul.u32 $0x64, v41;
	v42 =	vshrl.u32 v49, $0x2;
	v50 =	vadd.s32 $0x1, v37  }
0x1b2: {  	vm7 =	vmand vm8, vm7;
	v42 =	vmul.u32 $0x64, v42;
	v51 =	vadd.s32 $0x1, v40  }
0x1b3: {  	v52 =	vtrunc.f32 v15;
	v53 =	vmul.f32 s14, v11;
	v54 =	vadd.s32 v47, v41  }
0x1b4: {  	v55 =	vmul.f32 s14, v10;
	v41 =	vcvt.f32.s32 v52;
	v56 =	vadd.s32 v47, v42;
	v52 =	vld.idx.msk [tilespmem:v37+s2+$0x0], vm5  }
0x1b5: {  	v37 =	vadd.f32 v39, v0;
	v57 =	vld.idx.msk [tilespmem:v40+s2+$0x0], vm5;
	v40 =	vadd.f32 v53, v3;
	v53 =	vadd.s32 $0x1, v54  }
0x1b6: {  	v42 =	vadd.s32 $0x1, v41;
	v39 =	vadd.f32 v55, v0;
	v55 =	vadd.s32 $0x1, v56;
	v50 =	vld.idx.msk [tilespmem:v50+s2+$0x0], vm5  }
0x1b7: {  	v58 =	vcvt.s32.f32 v43;
	v43 =	vshll.u32 v43, $0x3;
	v51 =	vld.idx.msk [tilespmem:v51+s2+$0x0], vm5;
	v59 =	vtrunc.f32 v40  }
0x1b8: {  	v61 =	vand.u32 $0x18, v43;
	v60 =	vshrl.u32 v42, $0x2;
	v43 =	vcvt.f32.s32 v59;
	v54 =	vld.idx.msk [tilespmem:v54+s2+$0x0], vm7  }
0x1b9: {  	v46 =	vshll.u32 v46, $0x3;
	v38 =	vsub.f32 v38, v58;
	v58 =	vcvt.s32.f32 v48;
	v56 =	vld.idx.msk [tilespmem:v56+s2+$0x0], vm7  }
0x1ba: {  	v46 =	vand.u32 $0x18, v46;
	v48 =	vshll.u32 v48, $0x3;
	v49 =	vshll.u32 v49, $0x3;
	v53 =	vld.idx.msk [tilespmem:v53+s2+$0x0], vm7  }
0x1bb: {  	v48 =	vand.u32 $0x18, v48;
	v49 =	vand.u32 $0x18, v49;
	v52 =	vshrl.u32 v52, v61;
	v55 =	vld.idx.msk [tilespmem:v55+s2+$0x0], vm7  }
0x1bc: {  	v52 =	vand.u32 $0x1, v52;
	v57 =	vshrl.u32 v57, v46;
	v50 =	vshrl.u32 v50, v61  }
0x1bd: {  	v57 =	vand.u32 $0x1, v57;
	v50 =	vand.u32 $0x1, v50;
	v46 =	vshrl.u32 v51, v46  }
0x1be: {  	v51 =	vcvt.s32.f32 v52;
	v52 =	vcvt.s32.f32 v57;
	v54 =	vshrl.u32 v54, v48  }
0x1bf: {  	v50 =	vcvt.s32.f32 v50;
	v46 =	vand.u32 $0x1, v46;
	v54 =	vand.u32 $0x1, v54  }
0x1c0: {  	v46 =	vcvt.s32.f32 v46;
	v56 =	vshrl.u32 v56, v49;
	v48 =	vshrl.u32 v53, v48  }
0x1c1: {  	v53 =	vcvt.s32.f32 v54;
	v54 =	vand.u32 $0x1, v56;
	v49 =	vshrl.u32 v55, v49  }
0x1c2: {  	v54 =	vcvt.s32.f32 v54;
	v48 =	vand.u32 $0x1, v48;
	v49 =	vand.u32 $0x1, v49  }
0x1c3: {  	v44 =	vsub.f32 v44, v58;
	v48 =	vcvt.s32.f32 v48;
	v49 =	vcvt.s32.f32 v49  }
0x1c4: {  	v52 =	vsub.f32 v52, v51;
	v46 =	vsub.f32 v46, v50;
	v55 =	vadd.s32 $0x1, v43  }
0x1c5: {  	v45 =	vcvt.s32.f32 v45;
	v54 =	vsub.f32 v54, v53;
	v49 =	vsub.f32 v49, v48  }
0x1c6: {  	v52 =	vmul.f32 v52, v38;
	v38 =	vmul.f32 v46, v38;
	v46 =	vshrl.u32 v55, $0x2  }
0x1c7: {  	v56 =	vshrl.u32 v43, $0x2;
	v54 =	vmul.f32 v54, v44;
	v44 =	vmul.f32 v49, v44  }
0x1c8: {  	v47 =	vcvt.s32.f32 v47;
	v38 =	vadd.f32 v50, v38;
	v49 =	vadd.f32 v51, v52  }
0x1c9: {  	v50 =	vshrl.u32 v41, $0x2;
	v51 =	vadd.f32 v53, v54;
	v44 =	vadd.f32 v48, v44  }
0x1ca: {  	v30 =	vsub.f32 v30, v45;
	v31 =	vsub.f32 v31, v47;
	vm8 =	vle.f32 v39, v6  }
0x1cb: {  	vm9 =	vle.f32 v40, v7;
	v38 =	vsub.f32 v38, v49;
	v44 =	vsub.f32 v44, v51  }
0x1cc: {  	vm11 =	vle.f32 v15, v7;
	vm10 =	vle.f32 v37, v6;
	v45 =	vtrunc.f32 v39  }
0x1cd: {  	v30 =	vmul.f32 v38, v30;
	v38 =	vmul.u32 $0x64, v46;
	v31 =	vmul.f32 v44, v31  }
0x1ce: {  	v47 =	vmul.u32 $0x64, v56;
	v46 =	vmul.u32 $0x64, v60;
	v44 =	vtrunc.f32 v37  }
0x1cf: {  	v48 =	vmul.u32 $0x64, v50;
	v30 =	vadd.f32 v30, v49;
	v31 =	vadd.f32 v31, v51  }
0x1d0: {  	vm12 =	vge.f32 v39, v4;
	v45 =	vcvt.f32.s32 v45;
	vm8 =	vmand vm8, vm9  }
0x1d1: {  	vm9 =	vmand vm10, vm11;
	v30 =	vnsel vm5, $0x0, v30;
	v31 =	vnsel vm7, $0x0, v31  }
0x1d2: {  	v44 =	vcvt.f32.s32 v44;
	vm5 =	vge.f32 v37, v4;
	v30 =	vadd.f32 v31, v30  }
0x1d3: {  	vm5 =	vmand vm9, vm5;
	vm7 =	vmand vm8, vm12;
	vm8 =	vge.f32 v40, v5  }
0x1d4: {  	vm9 =	vge.f32 v15, v5;
	v31 =	vadd.s32 v45, v38;
	v9 =	vadd.f32 v30, v9  }
0x1d5: {  	v38 =	vadd.s32 v44, v46;
	v46 =	vadd.s32 v45, v47;
	v30 =	vadd.s32 v44, v48  }
0x1d6: {  	vm5 =	vmand vm9, vm5;
	vm7 =	vmand vm8, vm7;
	vm8 =	vne.s32 v45, v44  }
0x1d7: {  	vm9 =	vne.s32 v20, v44;
	v20 =	vmovc v45;
	v47 =	vadd.s32 $0x1, v46;
	v48 =	vadd.s32 $0x1, v31  }
0x1d8: {  	v50 =	vadd.s32 $0x1, v38;
	vm7 =	vmand vm8, vm7;
	v49 =	vadd.s32 $0x1, v30  }
0x1d9: {  	v52 =	vshll.u32 v55, $0x3;
	v51 =	vshll.u32 v43, $0x3;
	vm5 =	vmand vm9, vm5  }
0x1da: {  	v42 =	vshll.u32 v42, $0x3;
	v53 =	vshll.u32 v41, $0x3;
	v52 =	vand.u32 $0x18, v52  }
0x1db: {  	v42 =	vand.u32 $0x18, v42;
	v53 =	vand.u32 $0x18, v53;
	v51 =	vand.u32 $0x18, v51  }
0x1dc: {  	v17 =	vadd.f32 v17, v29;
	v41 =	vcvt.s32.f32 v41;
	v43 =	vcvt.s32.f32 v43  }
0x1dd: {  	v25 =	vmul.f32 v25, v28;
	v23 =	vmul.f32 v23, v14;
	v29 =	vnsel vm4, $0x0, v35  }
0x1de: {  	v26 =	vmul.f32 v26, v28;
	v28 =	vsub.f32 v15, v41;
	v14 =	vsub.f32 v40, v43;
	v35 =	vld.idx.msk [tilespmem:v48+s2+$0x0], vm7  }
0x1df: {  	v19 =	vadd.f32 v19, v25;
	v16 =	vadd.f32 v16, v23;
	v15 =	vcvt.s32.f32 v45;
	v31 =	vld.idx.msk [tilespmem:v31+s2+$0x0], vm7  }
0x1e0: {  	v26 =	vadd.f32 v18, v26;
	v18 =	vnsel vm6, $0x0, v36;
	v23 =	vcvt.s32.f32 v44;
	v25 =	vld.idx.msk [tilespmem:v47+s2+$0x0], vm7  }
0x1e1: {  	vm4 =	vmmov vm0;
	v17 =	vsub.f32 v17, v16;
	v15 =	vsub.f32 v39, v15;
	v36 =	vld.idx.msk [tilespmem:v50+s2+$0x0], vm5  }
0x1e2: {  	v19 =	vsub.f32 v19, v26;
	v23 =	vsub.f32 v37, v23;
	vm0 =	vmmov vm7;
	v37 =	vld.idx.msk [tilespmem:v46+s2+$0x0], vm7  }
0x1e3: {  	v33 =	vadd.f32 v32, v33;
	v32 =	vadd.f32 v29, v18;
	v17 =	vmul.f32 v17, v24;
	v38 =	vld.idx.msk [tilespmem:v38+s2+$0x0], vm5  }
0x1e4: {  	v39 =	vmul.f32 v19, v22;
	v24 =	vmovc v15;
	v22 =	vmov v23;
	v29 =	vshrl.u32 v35, v52;
	v18 =	vld.idx.msk [tilespmem:v49+s2+$0x0], vm5  }
0x1e5: {  	v35 =	vadd.f32 v17, v16;
	v19 =	vshrl.u32 v31, v52;
	v23 =	vand.u32 $0x1, v29;
	v15 =	vld.idx.msk [tilespmem:v30+s2+$0x0], vm5  }
0x1e6: {  	v16 =	vand.u32 $0x1, v19;
	v17 =	vshrl.u32 v25, v51;
	v23 =	vcvt.s32.f32 v23  }
0x1e7: {  	v19 =	vshrl.u32 v36, v42;
	v25 =	vcvt.s32.f32 v16;
	v16 =	vand.u32 $0x1, v17  }
0x1e8: {  	v19 =	vand.u32 $0x1, v19;
	v29 =	vshrl.u32 v37, v51;
	v17 =	vcvt.s32.f32 v16  }
0x1e9: {  	v16 =	vshrl.u32 v38, v42;
	v30 =	vcvt.s32.f32 v19;
	v19 =	vand.u32 $0x1, v29  }
0x1ea: {  	v29 =	vand.u32 $0x1, v16;
	v18 =	vshrl.u32 v18, v53;
	v16 =	vcvt.s32.f32 v19  }
0x1eb: {  	s15 =	sadd.s32 $0x2, s15;
	v15 =	vshrl.u32 v15, v53;
	v29 =	vcvt.s32.f32 v29;
	v18 =	vand.u32 $0x1, v18  }
0x1ec: {  	s14 =	scvt.s32.f32 s15;
	v31 =	vsub.f32 v23, v17;
	v15 =	vand.u32 $0x1, v15;
	v19 =	vcvt.s32.f32 v18  }
0x1ed: {  	v36 =	vadd.f32 v39, v26;
	v23 =	vsub.f32 v25, v16;
	v18 =	vcvt.s32.f32 v15  }
0x1ee: {  	v37 =	vmul.f32 s14, v13;
	v15 =	vmul.f32 s14, v12;
	v25 =	vsub.f32 v30, v19  }
.Ltmp7:
0x1ef: {  	v40 =	vmul.f32 s14, v11;
	v39 =	vmul.f32 s14, v10;
	s14 =	sadd.f32 $1.000000000e+00, s14;
	v26 =	vsub.f32 v29, v18;
	(pc) =	sbr.rel @p3 .LBB2_10-.Ltmp7, $4  }
0x1f0: {  	v38 =	vadd.f32 v37, v8;
	v30 =	vadd.f32 v15, v1;
	v29 =	vmul.f32 v31, v14  }
0x1f1: {  	v15 =	vadd.f32 v40, v3;
	v31 =	vmul.f32 s14, v12;
	v41 =	vmul.f32 s14, v13  }
0x1f2: {  	vm7 =	vge.f32 v38, v5;
	vm6 =	vle.f32 v30, v6;
	vm8 =	vge.f32 v30, v4  }
0x1f3: {  	s16 =	sadd.s32 $0xFFFFFFFF, s16;
	vm9 =	vle.f32 v38, v7;
	v42 =	vtrunc.f32 v30;
	v31 =	vadd.f32 v31, v1  }
.Ltmp8:
0x1f4: {  	(pc) =	sbr.rel .LBB2_12-.Ltmp8, $2  }
0x1f5: {  	_ =	sdelay $0x2  }
0x1f6: {  	v37 =	vmov v34  }
.LBB2_5:
.Ltmp9:
0x1f7: {  	(pc) =	sbr.rel .LBB2_12-.Ltmp9, $2  }
0x1f8: {  	_ =	sdelay $0x2  }
0x1f9: {  	v37 =	vmov v21;
	v33 =	vimm.f32 $0.0e+00  }
.LBB2_7:
.Ltmp10:
0x1fa: {  	(pc) =	sbr.rel .LBB2_12-.Ltmp10, $3  }
0x1fb: {  	_ =	sdelay $0x1  }
0x1fc: {  	vm3 =	vmmov vm1;
	v20 =	vmovc v32;
	v28 =	vmov v35;
	vm4 =	vmmov vm2  }
0x1fd: {  	v35 =	vmovc v21;
	v36 =	vmovc v27;
	v24 =	vmov v33;
	v33 =	vimm.f32 $0.0e+00;
	v22 =	vmov v40  }
.LBB2_9:
.Ltmp11:
0x1fe: {  	(pc) =	sbr.rel .LBB2_12-.Ltmp11, $2  }
0x1ff: {  	_ =	sdelay $0x2  }
0x200: {  	v37 =	vmov v34;
	v33 =	vimm.f32 $0.0e+00  }
.LBB2_14:
0x201: {  	_ =	sfence.sel $0x180000  }
0x202: {  	[bflag:$0x0] =	sbarrier.arrive $0xFFFF  }
0x203: {  	p0 =	sne.s32 s1, $0x0;
	_ =	strace $0x90000047  }
0x204: {  	s0 =	sadd.s32 @!p0 $0x100000, s0;
	[bflag:$0x2] =	sbarrier.arrive $0xFFFF  }
0x205: {  	[sflag:s0] =	ssyncadd.tile.s32 @!p0 $0x1;
	_ =	shalt  }
.Lfunc_end2:
_tile_overlayer_lowered:
.L_overlay_start_2:
0x206: {  	(tag) =	ssettag $0x2  }
0x207: {  	s0 =	rddreg [dreg:$0x0];
	s2 =	stileid.u32  }
0x208: {  	s1 =	rddreg [dreg:$0x1];
	p0 =	sne.s32 s2, $0x0  }
0x209: {  	s3 =	rddreg [dreg:$0x2];
	[bflag:$0x3] =	sbarrier.arrive $0xFFFF;
	s2 =	simm.s32 @!p0 $0x1C02  }
0x20a: {  	[timem:s3], [sflag:s2] =	dma.local @!p0 [hbm:s0], s1  }
0x20b: {  	s0 =	simm.s32 @!p0 $0x2  }
0x20c: {  	_ =	swait.ge @!p0 [sflag:s0], s1  }
0x20d: {  	s1 =	ssub.s32 @!p0 $0x0, s1;
	[sflag:s0] =	ssyncset.done @!p0 $0x0  }
0x20e: {  	[sflag:s0] =	ssyncadd.s32 @!p0 s1  }
0x20f: {  	[bflag:$0x3] =	sbarrier.arrive $0xFFFF  }
0x210: {  	_ =	shalt  }

</sc_bundles>
